<compile_context>
chip_gen: v7x
topology: tpu7x:2x2x1
jax: 0.10.2.dev20260603
libtpu: 0.0.44.dev20260713+nightly
codegen_flags: <defaults>
</compile_context>

<pallas_src>
import functools

import jax
import jax.numpy as jnp
from jax import lax
from jax.experimental import pallas as pl
from jax.experimental.pallas import tpu as pltpu
from jax.experimental.pallas import tpu_sc as plsc

MD = 256
NH = 4
DPH = 64
NE = 9
NT = 4096
BLK = 256
NBLK = NT // BLK
BLKQ = 512
NBLKQ = NT // BLKQ
BLKK = 512
BLKP = 512
NBLKP = NT // BLKP
SCALE = 0.25
PEN = 50.0
NW = 32
RPW = NT // NW

_f32 = jnp.float32
_bf16 = jnp.bfloat16


def _iota(shape, dim):
    return lax.broadcasted_iota(jnp.int32, shape, dim).astype(_f32)


def _route_kernel(m1f_ref, m2f_ref, m1b_ref, m2b_ref, r1_ref, r2_ref,
                  cnt1_ref, koff_ref, qoff_ref, meta_ref, pref1, pref2):
    b = pl.program_id(0)

    @pl.when(b == 0)
    def _():
        pref1[...] = jnp.zeros((1, 16), _f32)
        pref2[...] = jnp.zeros((1, 16), _f32)

    lt16 = (_iota((16, 16), 0) < _iota((16, 16), 1)).astype(_f32)
    lane16 = _iota((1, 16), 1)
    lanemask = (lane16 >= 1.0).astype(_f32)

    def rank_and_off(full_ref, blk_ref, pref):
        m = full_ref[...]
        mb = blk_ref[...]
        cnt = jnp.sum(m, axis=0, keepdims=True)
        off = jax.lax.dot_general(cnt, lt16, (((1,), (0,)), ((), ())),
                                  precision=lax.Precision.HIGHEST,
                                  preferred_element_type=_f32)
        pc = pref[...]
        pref[...] = pc + jnp.sum(mb, axis=0, keepdims=True)
        eqm = jax.lax.dot_general(mb, mb, (((1,), (1,)), ((), ())),
                                  preferred_element_type=_f32)
        tri = (_iota((BLK, BLK), 1) < _iota((BLK, BLK), 0)).astype(_f32)
        c_in = jnp.sum(eqm * tri, axis=1, keepdims=True)
        less_oh = jax.lax.dot_general(mb, lt16.T, (((1,), (0,)), ((), ())),
                                      preferred_element_type=_f32)
        cnt_less = jnp.sum(less_oh * cnt, axis=1, keepdims=True)
        prior = jnp.sum(mb * pc, axis=1, keepdims=True)
        rank = cnt_less + prior + c_in
        return rank, off, cnt

    rank1, koff, cnt1 = rank_and_off(m1f_ref, m1b_ref, pref1)
    rank2, qoff, _ = rank_and_off(m2f_ref, m2b_ref, pref2)
    r1_ref[...] = rank1.astype(jnp.int32)
    r2_ref[...] = rank2.astype(jnp.int32)
    cnt1_ref[...] = cnt1
    koff_ref[...] = koff
    qoff_ref[...] = qoff

    def lab_at(off, posf):
        return jnp.sum(((off <= posf) * lanemask), axis=1, keepdims=True)

    def off_at(off, lab):
        sel = (lane16 == lab).astype(_f32)
        return jnp.sum(off * sel, axis=1, keepdims=True)

    qpos = (b * BLKQ).astype(_f32)
    lmin = lab_at(qoff, qpos)
    lmax = lab_at(qoff, qpos + (BLKQ - 1))
    kstart = off_at(koff, lmin)
    kend = off_at(koff, lmax + 1.0)
    jstart = jnp.floor(kstart / BLKK)
    jnum = jnp.floor((kend + (BLKK - 1)) / BLKK) - jstart
    bpos = (b * BLKP).astype(_f32)
    kemin = lab_at(koff, bpos)
    kemax = lab_at(koff, bpos + (BLKP - 1))

    lane128 = _iota((1, 128), 1)
    meta = (jstart * (lane128 == 0.0) + jnum * (lane128 == 1.0)
            + lmin * (lane128 == 2.0) + (lmax - lmin + 1.0) * (lane128 == 3.0)
            + kemin * (lane128 == 4.0)
            + (kemax - kemin + 1.0) * (lane128 == 5.0))
    meta_ref[...] = meta.astype(jnp.int32).reshape(1, 1, 128)


def _sc_dispatch_kv(r1w, key, value):
    mesh = plsc.VectorSubcoreMesh(core_axis_name="c", subcore_axis_name="s")

    @functools.partial(
        pl.kernel,
        mesh=mesh,
        out_type=[jax.ShapeDtypeStruct((NT, MD), _f32),
                  jax.ShapeDtypeStruct((NT, MD), _f32)],
        scratch_types=[
            pltpu.VMEM((RPW,), jnp.int32),
            pltpu.VMEM((RPW, MD), _f32),
            pltpu.VMEM((RPW, MD), _f32),
            pltpu.SemaphoreType.DMA,
            pltpu.SemaphoreType.DMA,
            pltpu.SemaphoreType.DMA,
            pltpu.SemaphoreType.DMA,
        ],
    )
    def body(r1_hbm, k_hbm, v_hbm, sk_hbm, sv_hbm,
             idx1_v, kbuf, vbuf, semk, semv, sem1, sem2):
        wid = lax.axis_index("s") * 2 + lax.axis_index("c")
        base = wid * RPW
        pltpu.sync_copy(r1_hbm.at[wid], idx1_v)
        ck = pltpu.async_copy(k_hbm.at[pl.ds(base, RPW)], kbuf, semk)
        cv = pltpu.async_copy(v_hbm.at[pl.ds(base, RPW)], vbuf, semv)
        ck.wait()
        c1 = pltpu.async_copy(kbuf, sk_hbm.at[idx1_v], sem1)
        cv.wait()
        c2 = pltpu.async_copy(vbuf, sv_hbm.at[idx1_v], sem2)
        c1.wait()
        c2.wait()

    return body(r1w, key, value)


def _sc_dispatch_q(r2w, query):
    mesh = plsc.VectorSubcoreMesh(core_axis_name="c", subcore_axis_name="s")

    @functools.partial(
        pl.kernel,
        mesh=mesh,
        out_type=jax.ShapeDtypeStruct((NT, MD), _f32),
        scratch_types=[
            pltpu.VMEM((RPW,), jnp.int32),
            pltpu.VMEM((RPW, MD), _f32),
            pltpu.SemaphoreType.DMA,
            pltpu.SemaphoreType.DMA,
        ],
    )
    def body(r2_hbm, q_hbm, sq_hbm, idx2_v, qbuf, semq, sem3):
        wid = lax.axis_index("s") * 2 + lax.axis_index("c")
        base = wid * RPW
        pltpu.sync_copy(r2_hbm.at[wid], idx2_v)
        cq = pltpu.async_copy(q_hbm.at[pl.ds(base, RPW)], qbuf, semq)
        cq.wait()
        pltpu.async_copy(qbuf, sq_hbm.at[idx2_v], sem3).wait()

    return body(r2w, query)


def _sc_return(r2w, sout):
    mesh = plsc.VectorSubcoreMesh(core_axis_name="c", subcore_axis_name="s")

    @functools.partial(
        pl.kernel,
        mesh=mesh,
        out_type=jax.ShapeDtypeStruct((NT, MD), _f32),
        scratch_types=[
            pltpu.VMEM((RPW,), jnp.int32),
            pltpu.VMEM((RPW, MD), _f32),
            pltpu.SemaphoreType.DMA,
        ],
    )
    def body(r2_hbm, sout_hbm, out_hbm, idx_v, rows_v, sem):
        wid = lax.axis_index("s") * 2 + lax.axis_index("c")
        base = wid * RPW
        pltpu.sync_copy(r2_hbm.at[wid], idx_v)
        pltpu.async_copy(sout_hbm.at[idx_v], rows_v, sem).wait()
        pltpu.sync_copy(rows_v, out_hbm.at[pl.ds(base, RPW)])

    return body(r2w, sout)


def _labels_of_block(off, posf, n):
    pos = posf + _iota((n, 16), 0)
    lanemask = (_iota((n, 16), 1) >= 1.0).astype(_f32)
    return jnp.sum((off <= pos).astype(_f32) * lanemask, axis=1,
                   keepdims=True)


def _proj_kernel(meta_ref, sk_ref, sv_ref, koff_ref, wk_ref, bk_ref,
                 wv_ref, bv_ref, kp_ref, vp_ref):
    b = pl.program_id(0)
    emin = meta_ref[b, 4]
    ecnt = meta_ref[b, 5]
    lab = _labels_of_block(koff_ref[...], (b * BLKP).astype(_f32), BLKP)
    kblk = sk_ref[...].astype(_bf16)
    vblk = sv_ref[...].astype(_bf16)

    def body(e, carry):
        kacc, vacc = carry
        sel = (lab == e.astype(_f32)).astype(_f32)
        wk = wk_ref[e].astype(_bf16)
        wv = wv_ref[e].astype(_bf16)
        kp = jax.lax.dot_general(kblk, wk, (((1,), (1,)), ((), ())),
                                 preferred_element_type=_f32)
        vp = jax.lax.dot_general(vblk, wv, (((1,), (1,)), ((), ())),
                                 preferred_element_type=_f32)
        kacc = kacc + sel * (kp + bk_ref[pl.ds(e, 1), :])
        vacc = vacc + sel * (vp + bv_ref[pl.ds(e, 1), :])
        return kacc, vacc

    init = (jnp.zeros((BLKP, MD), _f32), jnp.zeros((BLKP, MD), _f32))
    kacc, vacc = lax.fori_loop(emin, emin + ecnt, body, init)
    kp_ref[...] = kacc.astype(_bf16)
    vp_ref[...] = vacc.astype(_bf16)


def _attn_kernel(meta_ref, sq_ref, koff_ref, qoff_ref, cnt1_ref, kp_ref,
                 vp_ref, wq_ref, bq_ref, wf_ref, bf_ref, g_ref, bt_ref,
                 out_ref):
    b = pl.program_id(0)
    jstart = meta_ref[b, 0]
    jnum = meta_ref[b, 1]
    emin = meta_ref[b, 2]
    ecnt = meta_ref[b, 3]
    koff = koff_ref[...]
    qblk = sq_ref[...]
    lane16 = _iota((1, 16), 1)
    lab2 = _labels_of_block(qoff_ref[...], (b * BLKQ).astype(_f32), BLKQ)
    oh2 = (lab2 == lane16).astype(_f32)
    count = jnp.sum(oh2 * cnt1_ref[...], axis=1, keepdims=True)

    qblk16 = qblk.astype(_bf16)

    def qbody(e, qacc):
        sel = (lab2 == e.astype(_f32)).astype(_f32)
        wq = wq_ref[e].astype(_bf16)
        qp = jax.lax.dot_general(qblk16, wq, (((1,), (1,)), ((), ())),
                                 preferred_element_type=_f32)
        return qacc + sel * (qp + bq_ref[pl.ds(e, 1), :])

    qacc = lax.fori_loop(emin, emin + ecnt, qbody,
                         jnp.zeros((BLKQ, MD), _f32))
    qacc16 = (qacc * SCALE).astype(_bf16)
    oh2p = (oh2 * PEN).astype(_bf16)

    def jbody(j, carry):
        states = carry
        jj = pl.multiple_of(j * BLKK, BLKK)
        kb = kp_ref[pl.ds(jj, BLKK), :]
        vb = vp_ref[pl.ds(jj, BLKK), :]
        labk = _labels_of_block(koff, (j * BLKK).astype(_f32), BLKK)
        oh1 = (labk == lane16).astype(_bf16)
        pen = jax.lax.dot_general(oh2p, oh1, (((1,), (1,)), ((), ())),
                                  preferred_element_type=_f32)
        new_states = []
        for h in range(NH):
            l, acc = states[h]
            qh = qacc16[:, h * DPH:(h + 1) * DPH]
            kh = kb[:, h * DPH:(h + 1) * DPH]
            vh = vb[:, h * DPH:(h + 1) * DPH]
            s = jax.lax.dot_general(qh, kh, (((1,), (1,)), ((), ())),
                                    preferred_element_type=_f32) + pen
            p = jnp.exp(s)
            l = l + jnp.sum(p, axis=1, keepdims=True)
            acc = acc + jax.lax.dot_general(
                p.astype(_bf16), vh, (((1,), (0,)), ((), ())),
                preferred_element_type=_f32)
            new_states.append((l, acc))
        return tuple(new_states)

    init_states = tuple((jnp.zeros((BLKQ, 1), _f32),
                         jnp.zeros((BLKQ, DPH), _f32)) for _ in range(NH))
    states = lax.fori_loop(jstart, jstart + jnum, jbody, init_states)

    chunks = []
    for h in range(NH):
        l, acc = states[h]
        lsafe = jnp.where(l > 0.0, l, 1.0)
        chunks.append(acc / lsafe)
    ctx = jnp.concatenate(chunks, axis=1)

    out = jax.lax.dot_general(ctx.astype(_bf16), wf_ref[...].astype(_bf16),
                              (((1,), (1,)), ((), ())),
                              preferred_element_type=_f32) + bf_ref[...]
    res = qblk + out
    mu = jnp.mean(res, axis=1, keepdims=True)
    var = jnp.mean((res - mu) ** 2, axis=1, keepdims=True)
    y = (res - mu) * jax.lax.rsqrt(var + 1e-5) * g_ref[...] + bt_ref[...]
    out_ref[...] = jnp.where(count > 0.5, y, qblk)


def _route(m1, m2):
    blk_mask = pl.BlockSpec((BLK, 16), lambda i: (i, 0))
    full_mask = pl.BlockSpec((NT, 16), lambda i: (0, 0))
    return pl.pallas_call(
        _route_kernel,
        grid=(NBLK,),
        in_specs=[full_mask, full_mask, blk_mask, blk_mask],
        out_specs=[pl.BlockSpec((BLK, 1), lambda i: (i, 0)),
                   pl.BlockSpec((BLK, 1), lambda i: (i, 0)),
                   pl.BlockSpec((1, 16), lambda i: (0, 0)),
                   pl.BlockSpec((1, 16), lambda i: (0, 0)),
                   pl.BlockSpec((1, 16), lambda i: (0, 0)),
                   pl.BlockSpec((1, 1, 128), lambda i: (i, 0, 0))],
        out_shape=[jax.ShapeDtypeStruct((NT, 1), jnp.int32),
                   jax.ShapeDtypeStruct((NT, 1), jnp.int32),
                   jax.ShapeDtypeStruct((1, 16), _f32),
                   jax.ShapeDtypeStruct((1, 16), _f32),
                   jax.ShapeDtypeStruct((1, 16), _f32),
                   jax.ShapeDtypeStruct((NBLK, 1, 128), jnp.int32)],
        scratch_shapes=[pltpu.VMEM((1, 16), _f32),
                        pltpu.VMEM((1, 16), _f32)],
    )(m1, m2, m1, m2)


def _proj(meta, sk, sv, koff, Wk, bk, Wv, bv):
    blk_rows = pl.BlockSpec((BLKP, MD), lambda i, m: (i, 0))
    off_spec = pl.BlockSpec((1, 16), lambda i, m: (0, 0))
    full_w = pl.BlockSpec((NE, MD, MD), lambda i, m: (0, 0, 0))
    full_b = pl.BlockSpec((NE, MD), lambda i, m: (0, 0))
    grid_spec = pltpu.PrefetchScalarGridSpec(
        num_scalar_prefetch=1,
        grid=(NBLKP,),
        in_specs=[blk_rows, blk_rows, off_spec, full_w, full_b, full_w,
                  full_b],
        out_specs=[blk_rows, blk_rows],
    )
    return pl.pallas_call(
        _proj_kernel,
        grid_spec=grid_spec,
        out_shape=[jax.ShapeDtypeStruct((NT, MD), _bf16),
                   jax.ShapeDtypeStruct((NT, MD), _bf16)],
    )(meta, sk, sv, koff, Wk, bk, Wv, bv)


def _attn(meta, sq, koff, qoff, cnt1, kps, vps, Wq, bq, Wf, bf, gamma,
          beta):
    blk_rows = pl.BlockSpec((BLKQ, MD), lambda i, m: (i, 0))
    off_spec = pl.BlockSpec((1, 16), lambda i, m: (0, 0))
    full_rows = pl.BlockSpec((NT, MD), lambda i, m: (0, 0))
    full_w = pl.BlockSpec((NE, MD, MD), lambda i, m: (0, 0, 0))
    full_b = pl.BlockSpec((NE, MD), lambda i, m: (0, 0))
    full_sq = pl.BlockSpec((MD, MD), lambda i, m: (0, 0))
    full_v1 = pl.BlockSpec((1, MD), lambda i, m: (0, 0))
    grid_spec = pltpu.PrefetchScalarGridSpec(
        num_scalar_prefetch=1,
        grid=(NBLKQ,),
        in_specs=[blk_rows, off_spec, off_spec, off_spec, full_rows,
                  full_rows, full_w, full_b, full_sq, full_v1, full_v1,
                  full_v1],
        out_specs=blk_rows,
    )
    return pl.pallas_call(
        _attn_kernel,
        grid_spec=grid_spec,
        out_shape=jax.ShapeDtypeStruct((NT, MD), _f32),
    )(meta, sq, koff, qoff, cnt1, kps, vps, Wq, bq, Wf, bf.reshape(1, MD),
      gamma.reshape(1, MD), beta.reshape(1, MD))


def kernel(key, value, query, label_1, label_2, Wk, bk, Wv, bv, Wq, bq,
           Wf, bf, gamma, beta):
    l1 = label_1.astype(jnp.int32)
    l2 = label_2.astype(jnp.int32)
    eids = jnp.arange(16, dtype=jnp.int32)
    m1 = (l1[:, None] == eids[None, :]).astype(_f32)
    m2 = (l2[:, None] == eids[None, :]).astype(_f32)

    rank1, rank2, cnt1, koff, qoff, meta3 = _route(m1, m2)
    r1w = rank1.reshape(NW, RPW)
    r2w = rank2.reshape(NW, RPW)
    meta = meta3.reshape(NBLK, 128)[:, :8]

    sk, sv = _sc_dispatch_kv(r1w, key, value)
    sq = _sc_dispatch_q(r2w, query)
    kps, vps = _proj(meta, sk, sv, koff, Wk, bk, Wv, bv)
    sout = _attn(meta, sq, koff, qoff, cnt1, kps, vps, Wq, bq, Wf, bf,
                 gamma, beta)
    return _sc_return(r2w, sout)

# --- scband reference (transcript-rebuilt; emitter-appended) ---
"""Pipeline reference for scband-class-cross-multi-head-attention-54065048322416 (READ-ONLY COPY).

The authoritative reference and input builder live on the scoring server;
editing this copy changes nothing except your own understanding.
"""

import jax, jax.numpy as jnp
import numpy as np

MODEL_DIM = 256
NUM_HEADS = 4
DIM_PER_HEAD = MODEL_DIM // NUM_HEADS
N_EXPERTS = 9
N_TOK = 4096


def _layer_norm(x, gamma, beta, eps=1e-5):
    mu = jnp.mean(x, axis=-1, keepdims=True)
    var = jnp.var(x, axis=-1, keepdims=True)
    return (x - mu) / jnp.sqrt(var + eps) * gamma + beta


def setup_inputs(seed: int = 0) -> dict:
    key = jax.random.key(seed)
    ks = jax.random.split(key, 16)
    d = MODEL_DIM
    s = 1.0 / np.sqrt(d)
    inp = {}
    inp['key'] = jax.random.normal(ks[0], (N_TOK, d), dtype=jnp.float32)
    inp['value'] = jax.random.normal(ks[1], (N_TOK, d), dtype=jnp.float32)
    inp['query'] = jax.random.normal(ks[2], (N_TOK, d), dtype=jnp.float32)
    inp['label_1'] = jax.random.randint(ks[3], (N_TOK,), 0, N_EXPERTS)
    inp['label_2'] = jax.random.randint(ks[4], (N_TOK,), 0, N_EXPERTS)
    inp['Wk'] = jax.random.uniform(ks[5], (N_EXPERTS, d, d), jnp.float32, -s, s)
    inp['bk'] = jax.random.uniform(ks[6], (N_EXPERTS, d), jnp.float32, -s, s)
    inp['Wv'] = jax.random.uniform(ks[7], (N_EXPERTS, d, d), jnp.float32, -s, s)
    inp['bv'] = jax.random.uniform(ks[8], (N_EXPERTS, d), jnp.float32, -s, s)
    inp['Wq'] = jax.random.uniform(ks[9], (N_EXPERTS, d, d), jnp.float32, -s, s)
    inp['bq'] = jax.random.uniform(ks[10], (N_EXPERTS, d), jnp.float32, -s, s)
    inp['Wf'] = jax.random.uniform(ks[11], (d, d), jnp.float32, -s, s)
    inp['bf'] = jax.random.uniform(ks[12], (d,), jnp.float32, -s, s)
    inp['gamma'] = jnp.ones((d,), jnp.float32)
    inp['beta'] = jnp.zeros((d,), jnp.float32)
    return inp


def reference(key, value, query, label_1, label_2, Wk, bk, Wv, bv, Wq, bq, Wf, bf, gamma, beta):
    H = NUM_HEADS
    dph = DIM_PER_HEAD
    # scale matches torch: (dim_per_head // num_heads) ** -0.5
    scale = float((dph // H) ** (-0.5))
    query_ori = query
    n_experts = Wk.shape[0]
    for lbl in range(n_experts):
        mask1 = label_1 == lbl
        mask2 = label_2 == lbl
        has1 = jnp.any(mask1)
        residual = query
        k_p = key @ Wk[lbl].T + bk[lbl]
        v_p = value @ Wv[lbl].T + bv[lbl]
        q_p = query @ Wq[lbl].T + bq[lbl]
        k_h = k_p.reshape(-1, H, dph).transpose(1, 0, 2)
        v_h = v_p.reshape(-1, H, dph).transpose(1, 0, 2)
        q_h = q_p.reshape(-1, H, dph).transpose(1, 0, 2)
        attn = jnp.einsum('hqd,hkd->hqk', q_h, k_h) * scale
        attn = jnp.where(mask1[None, None, :], attn, -jnp.inf)
        attn = jax.nn.softmax(attn, axis=2)
        ctx = jnp.einsum('hqk,hkd->hqd', attn, v_h)
        ctx = ctx.transpose(1, 0, 2).reshape(-1, H * dph)
        out = ctx @ Wf.T + bf
        out = _layer_norm(residual + out, gamma, beta)
        upd = jnp.logical_and(mask2, has1)
        query_ori = jnp.where(upd[:, None], out, query_ori)
    return query_ori

if __name__ == "__main__":
    import jax
    _d = setup_inputs()
    print(jax.jit(kernel)(*tuple(_d.values())))

</pallas_src>

<mosaic_0001>
#map = affine_map<(d0, d1) -> (0, 0)>
module attributes {stable_mosaic.version = 14 : i64} {
  func.func @body(%arg0: i32, %arg1: i32, %arg2: memref<32x128xi32, #tpu.memory_space<hbm>>, %arg3: memref<4096x256xf32, #tpu.memory_space<hbm>>, %arg4: memref<4096x256xf32, #tpu.memory_space<hbm>>, %arg5: memref<4096x256xf32, #tpu.memory_space<hbm>>, %arg6: memref<4096x256xf32, #tpu.memory_space<hbm>>, %arg7: memref<128xi32, #tpu.memory_space<vmem>>, %arg8: memref<128x256xf32, #tpu.memory_space<vmem>>, %arg9: memref<128x256xf32, #tpu.memory_space<vmem>>, %arg10: memref<!tpu.dma_semaphore, #tpu.memory_space<semaphore_mem>>, %arg11: memref<!tpu.dma_semaphore, #tpu.memory_space<semaphore_mem>>, %arg12: memref<!tpu.dma_semaphore, #tpu.memory_space<semaphore_mem>>, %arg13: memref<!tpu.dma_semaphore, #tpu.memory_space<semaphore_mem>>) attributes {dimension_semantics = [#tpu.dimension_semantics<core_parallel>, #tpu.dimension_semantics<subcore_parallel>], iteration_bounds = array<i64: 2, 16>, scalar_prefetch = 0 : i64, scratch_operands = 7 : i64, tpu.core_type = #tpu.core_type<sc_vector_subcore>, window_params = [{transform_indices = #map}, {transform_indices = #map}, {transform_indices = #map}, {transform_indices = #map}, {transform_indices = #map}]} {
    %mul3A = arith.constant 2 : i32
    %mul3A_0 = arith.muli %arg1, %mul3A : i32
    %add3A = arith.addi %mul3A_0, %arg0 : i32
    %mul3A_1 = arith.constant 128 : i32
    %mul3A_2 = arith.muli %add3A, %mul3A_1 : i32
    "tpu.region"() ({
      %run_scoped3A = tpu.sem_alloc : memref<!tpu.dma_semaphore, #tpu.memory_space<semaphore_mem>>
      %dma_start3A_29 = arith.constant 0 : i32
      %dma_start3A_30 = tpu.memref_slice %arg2[%add3A, %dma_start3A_29] : memref<32x128xi32, #tpu.memory_space<hbm>> -> memref<1x128xi32, #tpu.memory_space<hbm>>
      %dma_start3A_31 = tpu.memref_squeeze %dma_start3A_30 : memref<1x128xi32, #tpu.memory_space<hbm>> -> memref<128xi32, #tpu.memory_space<hbm>>
      %dma_start3A_32 = arith.constant 0 : i32
      %dma_start3A_33 = tpu.memref_slice %arg2[%add3A, %dma_start3A_32] : memref<32x128xi32, #tpu.memory_space<hbm>> -> memref<1x128xi32, #tpu.memory_space<hbm>>
      %dma_start3A_34 = tpu.memref_squeeze %dma_start3A_33 : memref<1x128xi32, #tpu.memory_space<hbm>> -> memref<128xi32, #tpu.memory_space<hbm>>
      tpu.enqueue_dma source(%dma_start3A_34 : memref<128xi32, #tpu.memory_space<hbm>>) target(%arg7 : memref<128xi32, #tpu.memory_space<vmem>>) target_semaphore(%run_scoped3A : memref<!tpu.dma_semaphore, #tpu.memory_space<semaphore_mem>>)
      %dma_wait3A_35 = arith.constant 0 : i32
      %dma_wait3A_36 = tpu.memref_slice %arg2[%add3A, %dma_wait3A_35] : memref<32x128xi32, #tpu.memory_space<hbm>> -> memref<1x128xi32, #tpu.memory_space<hbm>>
      %dma_wait3A_37 = tpu.memref_squeeze %dma_wait3A_36 : memref<1x128xi32, #tpu.memory_space<hbm>> -> memref<128xi32, #tpu.memory_space<hbm>>
      %dma_wait3A_38 = arith.constant 0 : i32
      %dma_wait3A_39 = tpu.memref_slice %arg2[%add3A, %dma_wait3A_38] : memref<32x128xi32, #tpu.memory_space<hbm>> -> memref<1x128xi32, #tpu.memory_space<hbm>>
      %dma_wait3A_40 = tpu.memref_squeeze %dma_wait3A_39 : memref<1x128xi32, #tpu.memory_space<hbm>> -> memref<128xi32, #tpu.memory_space<hbm>>
      tpu.wait_dma2 semaphore(%run_scoped3A : memref<!tpu.dma_semaphore, #tpu.memory_space<semaphore_mem>>) src(%dma_wait3A_40 : memref<128xi32, #tpu.memory_space<hbm>>) dst(%arg7 : memref<128xi32, #tpu.memory_space<vmem>>)
      tpu.yield
    }) : () -> ()
    %dma_start3A = arith.constant 0 : i32
    %dma_start3A_3 = tpu.memref_slice %arg3[%mul3A_2, %dma_start3A] : memref<4096x256xf32, #tpu.memory_space<hbm>> -> memref<128x256xf32, #tpu.memory_space<hbm>>
    %dma_start3A_4 = arith.constant 0 : i32
    %dma_start3A_5 = tpu.memref_slice %arg3[%mul3A_2, %dma_start3A_4] : memref<4096x256xf32, #tpu.memory_space<hbm>> -> memref<128x256xf32, #tpu.memory_space<hbm>>
    tpu.enqueue_dma source(%dma_start3A_5 : memref<128x256xf32, #tpu.memory_space<hbm>>) target(%arg8 : memref<128x256xf32, #tpu.memory_space<vmem>>) target_semaphore(%arg10 : memref<!tpu.dma_semaphore, #tpu.memory_space<semaphore_mem>>)
    %dma_start3A_6 = arith.constant 0 : i32
    %dma_start3A_7 = tpu.memref_slice %arg4[%mul3A_2, %dma_start3A_6] : memref<4096x256xf32, #tpu.memory_space<hbm>> -> memref<128x256xf32, #tpu.memory_space<hbm>>
    %dma_start3A_8 = arith.constant 0 : i32
    %dma_start3A_9 = tpu.memref_slice %arg4[%mul3A_2, %dma_start3A_8] : memref<4096x256xf32, #tpu.memory_space<hbm>> -> memref<128x256xf32, #tpu.memory_space<hbm>>
    tpu.enqueue_dma source(%dma_start3A_9 : memref<128x256xf32, #tpu.memory_space<hbm>>) target(%arg9 : memref<128x256xf32, #tpu.memory_space<vmem>>) target_semaphore(%arg11 : memref<!tpu.dma_semaphore, #tpu.memory_space<semaphore_mem>>)
    %dma_wait3A = arith.constant 0 : i32
    %dma_wait3A_10 = tpu.memref_slice %arg3[%mul3A_2, %dma_wait3A] : memref<4096x256xf32, #tpu.memory_space<hbm>> -> memref<128x256xf32, #tpu.memory_space<hbm>>
    %dma_wait3A_11 = arith.constant 0 : i32
    %dma_wait3A_12 = tpu.memref_slice %arg3[%mul3A_2, %dma_wait3A_11] : memref<4096x256xf32, #tpu.memory_space<hbm>> -> memref<128x256xf32, #tpu.memory_space<hbm>>
    tpu.wait_dma2 semaphore(%arg10 : memref<!tpu.dma_semaphore, #tpu.memory_space<semaphore_mem>>) src(%dma_wait3A_12 : memref<128x256xf32, #tpu.memory_space<hbm>>) dst(%arg8 : memref<128x256xf32, #tpu.memory_space<vmem>>)
    %dma_start3A_13 = arith.constant 0 : i32
    %dma_start3A_14 = arith.constant 0 : i32
    %dma_start3A_15 = tpu.memref_slice %arg5[%dma_start3A_13, %dma_start3A_14] : memref<4096x256xf32, #tpu.memory_space<hbm>> -> memref<4096x256xf32, #tpu.memory_space<hbm>>
    tpu.enqueue_indirect_dma source(%arg8 : memref<128x256xf32, #tpu.memory_space<vmem>>) target(%dma_start3A_15 : memref<4096x256xf32, #tpu.memory_space<hbm>>) offsets(%arg7 : memref<128xi32, #tpu.memory_space<vmem>>) semaphore(%arg12 : memref<!tpu.dma_semaphore, #tpu.memory_space<semaphore_mem>>)
    %dma_wait3A_16 = arith.constant 0 : i32
    %dma_wait3A_17 = tpu.memref_slice %arg4[%mul3A_2, %dma_wait3A_16] : memref<4096x256xf32, #tpu.memory_space<hbm>> -> memref<128x256xf32, #tpu.memory_space<hbm>>
    %dma_wait3A_18 = arith.constant 0 : i32
    %dma_wait3A_19 = tpu.memref_slice %arg4[%mul3A_2, %dma_wait3A_18] : memref<4096x256xf32, #tpu.memory_space<hbm>> -> memref<128x256xf32, #tpu.memory_space<hbm>>
    tpu.wait_dma2 semaphore(%arg11 : memref<!tpu.dma_semaphore, #tpu.memory_space<semaphore_mem>>) src(%dma_wait3A_19 : memref<128x256xf32, #tpu.memory_space<hbm>>) dst(%arg9 : memref<128x256xf32, #tpu.memory_space<vmem>>)
    %dma_start3A_20 = arith.constant 0 : i32
    %dma_start3A_21 = arith.constant 0 : i32
    %dma_start3A_22 = tpu.memref_slice %arg6[%dma_start3A_20, %dma_start3A_21] : memref<4096x256xf32, #tpu.memory_space<hbm>> -> memref<4096x256xf32, #tpu.memory_space<hbm>>
    tpu.enqueue_indirect_dma source(%arg9 : memref<128x256xf32, #tpu.memory_space<vmem>>) target(%dma_start3A_22 : memref<4096x256xf32, #tpu.memory_space<hbm>>) offsets(%arg7 : memref<128xi32, #tpu.memory_space<vmem>>) semaphore(%arg13 : memref<!tpu.dma_semaphore, #tpu.memory_space<semaphore_mem>>)
    %dma_wait3A_23 = arith.constant 0 : i32
    %dma_wait3A_24 = arith.constant 0 : i32
    %dma_wait3A_25 = tpu.memref_slice %arg5[%dma_wait3A_23, %dma_wait3A_24] : memref<4096x256xf32, #tpu.memory_space<hbm>> -> memref<4096x256xf32, #tpu.memory_space<hbm>>
    tpu.wait_indirect_dma semaphore(%arg12 : memref<!tpu.dma_semaphore, #tpu.memory_space<semaphore_mem>>) src(%arg8 : memref<128x256xf32, #tpu.memory_space<vmem>>) dst(%dma_wait3A_25 : memref<4096x256xf32, #tpu.memory_space<hbm>>)
    %dma_wait3A_26 = arith.constant 0 : i32
    %dma_wait3A_27 = arith.constant 0 : i32
    %dma_wait3A_28 = tpu.memref_slice %arg6[%dma_wait3A_26, %dma_wait3A_27] : memref<4096x256xf32, #tpu.memory_space<hbm>> -> memref<4096x256xf32, #tpu.memory_space<hbm>>
    tpu.wait_indirect_dma semaphore(%arg13 : memref<!tpu.dma_semaphore, #tpu.memory_space<semaphore_mem>>) src(%arg9 : memref<128x256xf32, #tpu.memory_space<vmem>>) dst(%dma_wait3A_28 : memref<4096x256xf32, #tpu.memory_space<hbm>>)
    return
  }
}

#map = affine_map<(d0, d1) -> (0, 0)>
module attributes {stable_mosaic.version = 14 : i64} {
  func.func @body(%arg0: i32, %arg1: i32, %arg2: memref<32x128xi32, #tpu.memory_space<hbm>>, %arg3: memref<4096x256xf32, #tpu.memory_space<hbm>>, %arg4: memref<4096x256xf32, #tpu.memory_space<hbm>>, %arg5: memref<128xi32, #tpu.memory_space<vmem>>, %arg6: memref<128x256xf32, #tpu.memory_space<vmem>>, %arg7: memref<!tpu.dma_semaphore, #tpu.memory_space<semaphore_mem>>) attributes {dimension_semantics = [#tpu.dimension_semantics<core_parallel>, #tpu.dimension_semantics<subcore_parallel>], iteration_bounds = array<i64: 2, 16>, scalar_prefetch = 0 : i64, scratch_operands = 3 : i64, tpu.core_type = #tpu.core_type<sc_vector_subcore>, window_params = [{transform_indices = #map}, {transform_indices = #map}, {transform_indices = #map}]} {
    %mul3A = arith.constant 2 : i32
    %mul3A_0 = arith.muli %arg1, %mul3A : i32
    %add3A = arith.addi %mul3A_0, %arg0 : i32
    %mul3A_1 = arith.constant 128 : i32
    %mul3A_2 = arith.muli %add3A, %mul3A_1 : i32
    "tpu.region"() ({
      %run_scoped3A = tpu.sem_alloc : memref<!tpu.dma_semaphore, #tpu.memory_space<semaphore_mem>>
      %dma_start3A_7 = arith.constant 0 : i32
      %dma_start3A_8 = tpu.memref_slice %arg2[%add3A, %dma_start3A_7] : memref<32x128xi32, #tpu.memory_space<hbm>> -> memref<1x128xi32, #tpu.memory_space<hbm>>
      %dma_start3A_9 = tpu.memref_squeeze %dma_start3A_8 : memref<1x128xi32, #tpu.memory_space<hbm>> -> memref<128xi32, #tpu.memory_space<hbm>>
      %dma_start3A_10 = arith.constant 0 : i32
      %dma_start3A_11 = tpu.memref_slice %arg2[%add3A, %dma_start3A_10] : memref<32x128xi32, #tpu.memory_space<hbm>> -> memref<1x128xi32, #tpu.memory_space<hbm>>
      %dma_start3A_12 = tpu.memref_squeeze %dma_start3A_11 : memref<1x128xi32, #tpu.memory_space<hbm>> -> memref<128xi32, #tpu.memory_space<hbm>>
      tpu.enqueue_dma source(%dma_start3A_12 : memref<128xi32, #tpu.memory_space<hbm>>) target(%arg5 : memref<128xi32, #tpu.memory_space<vmem>>) target_semaphore(%run_scoped3A : memref<!tpu.dma_semaphore, #tpu.memory_space<semaphore_mem>>)
      %dma_wait3A_13 = arith.constant 0 : i32
      %dma_wait3A_14 = tpu.memref_slice %arg2[%add3A, %dma_wait3A_13] : memref<32x128xi32, #tpu.memory_space<hbm>> -> memref<1x128xi32, #tpu.memory_space<hbm>>
      %dma_wait3A_15 = tpu.memref_squeeze %dma_wait3A_14 : memref<1x128xi32, #tpu.memory_space<hbm>> -> memref<128xi32, #tpu.memory_space<hbm>>
      %dma_wait3A_16 = arith.constant 0 : i32
      %dma_wait3A_17 = tpu.memref_slice %arg2[%add3A, %dma_wait3A_16] : memref<32x128xi32, #tpu.memory_space<hbm>> -> memref<1x128xi32, #tpu.memory_space<hbm>>
      %dma_wait3A_18 = tpu.memref_squeeze %dma_wait3A_17 : memref<1x128xi32, #tpu.memory_space<hbm>> -> memref<128xi32, #tpu.memory_space<hbm>>
      tpu.wait_dma2 semaphore(%run_scoped3A : memref<!tpu.dma_semaphore, #tpu.memory_space<semaphore_mem>>) src(%dma_wait3A_18 : memref<128xi32, #tpu.memory_space<hbm>>) dst(%arg5 : memref<128xi32, #tpu.memory_space<vmem>>)
      tpu.yield
    }) : () -> ()
    %dma_start3A = arith.constant 0 : i32
    %dma_start3A_3 = arith.constant 0 : i32
    %dma_start3A_4 = tpu.memref_slice %arg3[%dma_start3A, %dma_start3A_3] : memref<4096x256xf32, #tpu.memory_space<hbm>> -> memref<4096x256xf32, #tpu.memory_space<hbm>>
    tpu.enqueue_indirect_dma source(%dma_start3A_4 : memref<4096x256xf32, #tpu.memory_space<hbm>>) target(%arg6 : memref<128x256xf32, #tpu.memory_space<vmem>>) offsets(%arg5 : memref<128xi32, #tpu.memory_space<vmem>>) semaphore(%arg7 : memref<!tpu.dma_semaphore, #tpu.memory_space<semaphore_mem>>)
    %dma_wait3A = arith.constant 0 : i32
    %dma_wait3A_5 = arith.constant 0 : i32
    %dma_wait3A_6 = tpu.memref_slice %arg3[%dma_wait3A, %dma_wait3A_5] : memref<4096x256xf32, #tpu.memory_space<hbm>> -> memref<4096x256xf32, #tpu.memory_space<hbm>>
    tpu.wait_indirect_dma semaphore(%arg7 : memref<!tpu.dma_semaphore, #tpu.memory_space<semaphore_mem>>) src(%dma_wait3A_6 : memref<4096x256xf32, #tpu.memory_space<hbm>>) dst(%arg6 : memref<128x256xf32, #tpu.memory_space<vmem>>)
    "tpu.region"() ({
      %run_scoped3A = tpu.sem_alloc : memref<!tpu.dma_semaphore, #tpu.memory_space<semaphore_mem>>
      %dma_start3A_7 = arith.constant 0 : i32
      %dma_start3A_8 = tpu.memref_slice %arg4[%mul3A_2, %dma_start3A_7] : memref<4096x256xf32, #tpu.memory_space<hbm>> -> memref<128x256xf32, #tpu.memory_space<hbm>>
      %dma_start3A_9 = arith.constant 0 : i32
      %dma_start3A_10 = tpu.memref_slice %arg4[%mul3A_2, %dma_start3A_9] : memref<4096x256xf32, #tpu.memory_space<hbm>> -> memref<128x256xf32, #tpu.memory_space<hbm>>
      tpu.enqueue_dma source(%arg6 : memref<128x256xf32, #tpu.memory_space<vmem>>) target(%dma_start3A_10 : memref<128x256xf32, #tpu.memory_space<hbm>>) target_semaphore(%run_scoped3A : memref<!tpu.dma_semaphore, #tpu.memory_space<semaphore_mem>>)
      %dma_wait3A_11 = arith.constant 0 : i32
      %dma_wait3A_12 = tpu.memref_slice %arg4[%mul3A_2, %dma_wait3A_11] : memref<4096x256xf32, #tpu.memory_space<hbm>> -> memref<128x256xf32, #tpu.memory_space<hbm>>
      %dma_wait3A_13 = arith.constant 0 : i32
      %dma_wait3A_14 = tpu.memref_slice %arg4[%mul3A_2, %dma_wait3A_13] : memref<4096x256xf32, #tpu.memory_space<hbm>> -> memref<128x256xf32, #tpu.memory_space<hbm>>
      tpu.wait_dma2 semaphore(%run_scoped3A : memref<!tpu.dma_semaphore, #tpu.memory_space<semaphore_mem>>) src(%arg6 : memref<128x256xf32, #tpu.memory_space<vmem>>) dst(%dma_wait3A_14 : memref<128x256xf32, #tpu.memory_space<hbm>>)
      tpu.yield
    }) : () -> ()
    return
  }
}

#map = affine_map<(d0, d1) -> (0, 0)>
module attributes {stable_mosaic.version = 14 : i64} {
  func.func @body(%arg0: i32, %arg1: i32, %arg2: memref<32x128xi32, #tpu.memory_space<hbm>>, %arg3: memref<4096x256xf32, #tpu.memory_space<hbm>>, %arg4: memref<4096x256xf32, #tpu.memory_space<hbm>>, %arg5: memref<128xi32, #tpu.memory_space<vmem>>, %arg6: memref<128x256xf32, #tpu.memory_space<vmem>>, %arg7: memref<!tpu.dma_semaphore, #tpu.memory_space<semaphore_mem>>, %arg8: memref<!tpu.dma_semaphore, #tpu.memory_space<semaphore_mem>>) attributes {dimension_semantics = [#tpu.dimension_semantics<core_parallel>, #tpu.dimension_semantics<subcore_parallel>], iteration_bounds = array<i64: 2, 16>, scalar_prefetch = 0 : i64, scratch_operands = 4 : i64, tpu.core_type = #tpu.core_type<sc_vector_subcore>, window_params = [{transform_indices = #map}, {transform_indices = #map}, {transform_indices = #map}]} {
    %mul3A = arith.constant 2 : i32
    %mul3A_0 = arith.muli %arg1, %mul3A : i32
    %add3A = arith.addi %mul3A_0, %arg0 : i32
    %mul3A_1 = arith.constant 128 : i32
    %mul3A_2 = arith.muli %add3A, %mul3A_1 : i32
    "tpu.region"() ({
      %run_scoped3A = tpu.sem_alloc : memref<!tpu.dma_semaphore, #tpu.memory_space<semaphore_mem>>
      %dma_start3A_15 = arith.constant 0 : i32
      %dma_start3A_16 = tpu.memref_slice %arg2[%add3A, %dma_start3A_15] : memref<32x128xi32, #tpu.memory_space<hbm>> -> memref<1x128xi32, #tpu.memory_space<hbm>>
      %dma_start3A_17 = tpu.memref_squeeze %dma_start3A_16 : memref<1x128xi32, #tpu.memory_space<hbm>> -> memref<128xi32, #tpu.memory_space<hbm>>
      %dma_start3A_18 = arith.constant 0 : i32
      %dma_start3A_19 = tpu.memref_slice %arg2[%add3A, %dma_start3A_18] : memref<32x128xi32, #tpu.memory_space<hbm>> -> memref<1x128xi32, #tpu.memory_space<hbm>>
      %dma_start3A_20 = tpu.memref_squeeze %dma_start3A_19 : memref<1x128xi32, #tpu.memory_space<hbm>> -> memref<128xi32, #tpu.memory_space<hbm>>
      tpu.enqueue_dma source(%dma_start3A_20 : memref<128xi32, #tpu.memory_space<hbm>>) target(%arg5 : memref<128xi32, #tpu.memory_space<vmem>>) target_semaphore(%run_scoped3A : memref<!tpu.dma_semaphore, #tpu.memory_space<semaphore_mem>>)
      %dma_wait3A_21 = arith.constant 0 : i32
      %dma_wait3A_22 = tpu.memref_slice %arg2[%add3A, %dma_wait3A_21] : memref<32x128xi32, #tpu.memory_space<hbm>> -> memref<1x128xi32, #tpu.memory_space<hbm>>
      %dma_wait3A_23 = tpu.memref_squeeze %dma_wait3A_22 : memref<1x128xi32, #tpu.memory_space<hbm>> -> memref<128xi32, #tpu.memory_space<hbm>>
      %dma_wait3A_24 = arith.constant 0 : i32
      %dma_wait3A_25 = tpu.memref_slice %arg2[%add3A, %dma_wait3A_24] : memref<32x128xi32, #tpu.memory_space<hbm>> -> memref<1x128xi32, #tpu.memory_space<hbm>>
      %dma_wait3A_26 = tpu.memref_squeeze %dma_wait3A_25 : memref<1x128xi32, #tpu.memory_space<hbm>> -> memref<128xi32, #tpu.memory_space<hbm>>
      tpu.wait_dma2 semaphore(%run_scoped3A : memref<!tpu.dma_semaphore, #tpu.memory_space<semaphore_mem>>) src(%dma_wait3A_26 : memref<128xi32, #tpu.memory_space<hbm>>) dst(%arg5 : memref<128xi32, #tpu.memory_space<vmem>>)
      tpu.yield
    }) : () -> ()
    %dma_start3A = arith.constant 0 : i32
    %dma_start3A_3 = tpu.memref_slice %arg3[%mul3A_2, %dma_start3A] : memref<4096x256xf32, #tpu.memory_space<hbm>> -> memref<128x256xf32, #tpu.memory_space<hbm>>
    %dma_start3A_4 = arith.constant 0 : i32
    %dma_start3A_5 = tpu.memref_slice %arg3[%mul3A_2, %dma_start3A_4] : memref<4096x256xf32, #tpu.memory_space<hbm>> -> memref<128x256xf32, #tpu.memory_space<hbm>>
    tpu.enqueue_dma source(%dma_start3A_5 : memref<128x256xf32, #tpu.memory_space<hbm>>) target(%arg6 : memref<128x256xf32, #tpu.memory_space<vmem>>) target_semaphore(%arg7 : memref<!tpu.dma_semaphore, #tpu.memory_space<semaphore_mem>>)
    %dma_wait3A = arith.constant 0 : i32
    %dma_wait3A_6 = tpu.memref_slice %arg3[%mul3A_2, %dma_wait3A] : memref<4096x256xf32, #tpu.memory_space<hbm>> -> memref<128x256xf32, #tpu.memory_space<hbm>>
    %dma_wait3A_7 = arith.constant 0 : i32
    %dma_wait3A_8 = tpu.memref_slice %arg3[%mul3A_2, %dma_wait3A_7] : memref<4096x256xf32, #tpu.memory_space<hbm>> -> memref<128x256xf32, #tpu.memory_space<hbm>>
    tpu.wait_dma2 semaphore(%arg7 : memref<!tpu.dma_semaphore, #tpu.memory_space<semaphore_mem>>) src(%dma_wait3A_8 : memref<128x256xf32, #tpu.memory_space<hbm>>) dst(%arg6 : memref<128x256xf32, #tpu.memory_space<vmem>>)
    %dma_start3A_9 = arith.constant 0 : i32
    %dma_start3A_10 = arith.constant 0 : i32
    %dma_start3A_11 = tpu.memref_slice %arg4[%dma_start3A_9, %dma_start3A_10] : memref<4096x256xf32, #tpu.memory_space<hbm>> -> memref<4096x256xf32, #tpu.memory_space<hbm>>
    tpu.enqueue_indirect_dma source(%arg6 : memref<128x256xf32, #tpu.memory_space<vmem>>) target(%dma_start3A_11 : memref<4096x256xf32, #tpu.memory_space<hbm>>) offsets(%arg5 : memref<128xi32, #tpu.memory_space<vmem>>) semaphore(%arg8 : memref<!tpu.dma_semaphore, #tpu.memory_space<semaphore_mem>>)
    %dma_wait3A_12 = arith.constant 0 : i32
    %dma_wait3A_13 = arith.constant 0 : i32
    %dma_wait3A_14 = tpu.memref_slice %arg4[%dma_wait3A_12, %dma_wait3A_13] : memref<4096x256xf32, #tpu.memory_space<hbm>> -> memref<4096x256xf32, #tpu.memory_space<hbm>>
    tpu.wait_indirect_dma semaphore(%arg8 : memref<!tpu.dma_semaphore, #tpu.memory_space<semaphore_mem>>) src(%arg6 : memref<128x256xf32, #tpu.memory_space<vmem>>) dst(%dma_wait3A_14 : memref<4096x256xf32, #tpu.memory_space<hbm>>)
    return
  }
}

module attributes {stable_mosaic.version = 14 : i64} {
  func.func @_route_kernel(%arg0: i32, %arg1: memref<4096x16xf32, #tpu.memory_space<vmem>>, %arg2: memref<4096x16xf32, #tpu.memory_space<vmem>>, %arg3: memref<256x16xf32, #tpu.memory_space<vmem>>, %arg4: memref<256x16xf32, #tpu.memory_space<vmem>>, %arg5: memref<256x1xi32, #tpu.memory_space<vmem>>, %arg6: memref<256x1xi32, #tpu.memory_space<vmem>>, %arg7: memref<1x16xf32, #tpu.memory_space<vmem>>, %arg8: memref<1x16xf32, #tpu.memory_space<vmem>>, %arg9: memref<1x16xf32, #tpu.memory_space<vmem>>, %arg10: memref<1x1x128xi32, #tpu.memory_space<vmem>>, %arg11: memref<1x16xf32, #tpu.memory_space<vmem>>, %arg12: memref<1x16xf32, #tpu.memory_space<vmem>>) attributes {dimension_semantics = [#tpu.dimension_semantics<arbitrary>], iteration_bounds = array<i64: 16>, scalar_prefetch = 0 : i64, scratch_operands = 2 : i64, tpu.core_type = #tpu.core_type<tc>, window_params = [{pipeline_mode = #tpu.pipeline_mode<synchronous>, transform_indices = @transform_0, window_bounds = array<i64: 4096, 16>}, {pipeline_mode = #tpu.pipeline_mode<synchronous>, transform_indices = @transform_1, window_bounds = array<i64: 4096, 16>}, {transform_indices = @transform_2, window_bounds = array<i64: 256, 16>}, {transform_indices = @transform_3, window_bounds = array<i64: 256, 16>}, {transform_indices = @transform_4, window_bounds = array<i64: 256, 1>}, {transform_indices = @transform_5, window_bounds = array<i64: 256, 1>}, {pipeline_mode = #tpu.pipeline_mode<synchronous>, transform_indices = @transform_6, window_bounds = array<i64: 1, 16>}, {pipeline_mode = #tpu.pipeline_mode<synchronous>, transform_indices = @transform_7, window_bounds = array<i64: 1, 16>}, {pipeline_mode = #tpu.pipeline_mode<synchronous>, transform_indices = @transform_8, window_bounds = array<i64: 1, 16>}, {transform_indices = @transform_9, window_bounds = array<i64: 1, 1, 128>}]} {
    %eq3A = arith.constant 0 : i32
    %eq3A_0 = arith.cmpi eq, %arg0, %eq3A : i32
    %convert_element_type3A = arith.extui %eq3A_0 : i1 to i32
    %cond3A = arith.constant 0 : i32
    %cond3A_1 = arith.cmpi ne, %convert_element_type3A, %cond3A : i32
    scf.if %cond3A_1 {
      %broadcast_in_dim3A_251 = arith.constant 0.000000e+00 : f32
      %broadcast_in_dim3A_252 = vector.broadcast %broadcast_in_dim3A_251 : f32 to vector<1x16xf32>
      %swap3A_253 = arith.constant 0 : index
      %swap3A_254 = arith.constant 0 : index
      %swap3A_255 = vector.load %arg11[%swap3A_253, %swap3A_254] : memref<1x16xf32, #tpu.memory_space<vmem>>, vector<1x16xf32>
      tpu.vector_store %arg11[%swap3A_253, %swap3A_254], %broadcast_in_dim3A_252 {strides = array<i32>} : memref<1x16xf32, #tpu.memory_space<vmem>>, vector<1x16xf32>,
      %broadcast_in_dim3A_256 = arith.constant 0.000000e+00 : f32
      %broadcast_in_dim3A_257 = vector.broadcast %broadcast_in_dim3A_256 : f32 to vector<1x16xf32>
      %swap3A_258 = arith.constant 0 : index
      %swap3A_259 = arith.constant 0 : index
      %swap3A_260 = vector.load %arg12[%swap3A_258, %swap3A_259] : memref<1x16xf32, #tpu.memory_space<vmem>>, vector<1x16xf32>
      tpu.vector_store %arg12[%swap3A_258, %swap3A_259], %broadcast_in_dim3A_257 {strides = array<i32>} : memref<1x16xf32, #tpu.memory_space<vmem>>, vector<1x16xf32>,
    } else {
    }
    %iota3A = tpu.iota {dimensions = array<i32: 0>} : vector<16x16xi32>
    %convert_element_type3A_2 = arith.sitofp %iota3A : vector<16x16xi32> to vector<16x16xf32>
    %iota3A_3 = tpu.iota {dimensions = array<i32: 1>} : vector<16x16xi32>
    %convert_element_type3A_4 = arith.sitofp %iota3A_3 : vector<16x16xi32> to vector<16x16xf32>
    %lt3A = arith.cmpf olt, %convert_element_type3A_2, %convert_element_type3A_4 : vector<16x16xf32>
    %convert_element_type3A_5 = arith.extui %lt3A : vector<16x16xi1> to vector<16x16xi32>
    %convert_element_type3A_6 = arith.sitofp %convert_element_type3A_5 : vector<16x16xi32> to vector<16x16xf32>
    %iota3A_7 = tpu.iota {dimensions = array<i32: 1>} : vector<1x16xi32>
    %convert_element_type3A_8 = arith.sitofp %iota3A_7 : vector<1x16xi32> to vector<1x16xf32>
    %ge3A = arith.constant 1.000000e+00 : f32
    %ge3A_9 = vector.broadcast %ge3A : f32 to vector<1x16xf32>
    %ge3A_10 = arith.cmpf oge, %convert_element_type3A_8, %ge3A_9 : vector<1x16xf32>
    %convert_element_type3A_11 = arith.extui %ge3A_10 : vector<1x16xi1> to vector<1x16xi32>
    %convert_element_type3A_12 = arith.sitofp %convert_element_type3A_11 : vector<1x16xi32> to vector<1x16xf32>
    %get3A = arith.constant 0 : index
    %get3A_13 = arith.constant 0 : index
    %get3A_14 = vector.load %arg1[%get3A, %get3A_13] : memref<4096x16xf32, #tpu.memory_space<vmem>>, vector<4096x16xf32>
    %get3A_15 = arith.constant 0 : index
    %get3A_16 = arith.constant 0 : index
    %get3A_17 = vector.load %arg3[%get3A_15, %get3A_16] : memref<256x16xf32, #tpu.memory_space<vmem>>, vector<256x16xf32>
    %reduce_sum3A = arith.constant dense<0.000000e+00> : vector<16xf32>
    %reduce_sum3A_18 = vector.multi_reduction <add>, %get3A_14, %reduce_sum3A [0] : vector<4096x16xf32> to vector<16xf32>
    %broadcast_in_dim3A = vector.shape_cast %reduce_sum3A_18 : vector<16xf32> to vector<1x16xf32>
    %dot_general3A = arith.constant dense<0.000000e+00> : vector<1x16xf32>
    %dot_general3A_19 = tpu.matmul %broadcast_in_dim3A, %convert_element_type3A_6, %dot_general3A {dimension_numbers = #tpu.dot_dimension_numbers<[1], [0], [0], [1], [0, 0, 1, 1], [], []>, precision = #tpu.contract_precision<fp32>, transpose_lhs_hint = false} : vector<1x16xf32>, vector<16x16xf32>, vector<1x16xf32> -> vector<1x16xf32>
    %get3A_20 = arith.constant 0 : index
    %get3A_21 = arith.constant 0 : index
    %get3A_22 = vector.load %arg11[%get3A_20, %get3A_21] : memref<1x16xf32, #tpu.memory_space<vmem>>, vector<1x16xf32>
    %reduce_sum3A_23 = arith.constant dense<0.000000e+00> : vector<16xf32>
    %reduce_sum3A_24 = vector.multi_reduction <add>, %get3A_17, %reduce_sum3A_23 [0] : vector<256x16xf32> to vector<16xf32>
    %broadcast_in_dim3A_25 = vector.shape_cast %reduce_sum3A_24 : vector<16xf32> to vector<1x16xf32>
    %add3A = arith.addf %get3A_22, %broadcast_in_dim3A_25 : vector<1x16xf32>
    %swap3A = arith.constant 0 : index
    %swap3A_26 = arith.constant 0 : index
    %swap3A_27 = vector.load %arg11[%swap3A, %swap3A_26] : memref<1x16xf32, #tpu.memory_space<vmem>>, vector<1x16xf32>
    tpu.vector_store %arg11[%swap3A, %swap3A_26], %add3A {strides = array<i32>} : memref<1x16xf32, #tpu.memory_space<vmem>>, vector<1x16xf32>,
    %dot_general3A_28 = arith.constant dense<0.000000e+00> : vector<256x256xf32>
    %dot_general3A_29 = tpu.matmul %get3A_17, %get3A_17, %dot_general3A_28 {dimension_numbers = #tpu.dot_dimension_numbers<[1], [1], [0], [0], [0, 0, 1, 0], [], []>, transpose_lhs_hint = false} : vector<256x16xf32>, vector<256x16xf32>, vector<256x256xf32> -> vector<256x256xf32>
    %iota3A_30 = tpu.iota {dimensions = array<i32: 1>} : vector<256x256xi32>
    %convert_element_type3A_31 = arith.sitofp %iota3A_30 : vector<256x256xi32> to vector<256x256xf32>
    %iota3A_32 = tpu.iota {dimensions = array<i32: 0>} : vector<256x256xi32>
    %convert_element_type3A_33 = arith.sitofp %iota3A_32 : vector<256x256xi32> to vector<256x256xf32>
    %lt3A_34 = arith.cmpf olt, %convert_element_type3A_31, %convert_element_type3A_33 : vector<256x256xf32>
    %convert_element_type3A_35 = arith.extui %lt3A_34 : vector<256x256xi1> to vector<256x256xi32>
    %convert_element_type3A_36 = arith.sitofp %convert_element_type3A_35 : vector<256x256xi32> to vector<256x256xf32>
    %mul3A = arith.mulf %dot_general3A_29, %convert_element_type3A_36 : vector<256x256xf32>
    %reduce_sum3A_37 = arith.constant dense<0.000000e+00> : vector<256xf32>
    %reduce_sum3A_38 = vector.multi_reduction <add>, %mul3A, %reduce_sum3A_37 [1] : vector<256x256xf32> to vector<256xf32>
    %broadcast_in_dim3A_39 = vector.shape_cast %reduce_sum3A_38 : vector<256xf32> to vector<256x1xf32>
    %transpose3A = tpu.transpose %convert_element_type3A_6, [1, 0] : vector<16x16xf32> -> vector<16x16xf32>
    %dot_general3A_40 = arith.constant dense<0.000000e+00> : vector<256x16xf32>
    %dot_general3A_41 = tpu.matmul %get3A_17, %transpose3A, %dot_general3A_40 {dimension_numbers = #tpu.dot_dimension_numbers<[1], [0], [0], [1], [0, 0, 1, 1], [], []>, transpose_lhs_hint = false} : vector<256x16xf32>, vector<16x16xf32>, vector<256x16xf32> -> vector<256x16xf32>
    %mul3A_42 = vector.broadcast %broadcast_in_dim3A : vector<1x16xf32> to vector<256x16xf32>
    %mul3A_43 = arith.mulf %dot_general3A_41, %mul3A_42 : vector<256x16xf32>
    %reduce_sum3A_44 = arith.constant dense<0.000000e+00> : vector<256xf32>
    %reduce_sum3A_45 = vector.multi_reduction <add>, %mul3A_43, %reduce_sum3A_44 [1] : vector<256x16xf32> to vector<256xf32>
    %broadcast_in_dim3A_46 = vector.shape_cast %reduce_sum3A_45 : vector<256xf32> to vector<256x1xf32>
    %mul3A_47 = vector.broadcast %get3A_22 : vector<1x16xf32> to vector<256x16xf32>
    %mul3A_48 = arith.mulf %get3A_17, %mul3A_47 : vector<256x16xf32>
    %reduce_sum3A_49 = arith.constant dense<0.000000e+00> : vector<256xf32>
    %reduce_sum3A_50 = vector.multi_reduction <add>, %mul3A_48, %reduce_sum3A_49 [1] : vector<256x16xf32> to vector<256xf32>
    %broadcast_in_dim3A_51 = vector.shape_cast %reduce_sum3A_50 : vector<256xf32> to vector<256x1xf32>
    %add3A_52 = arith.addf %broadcast_in_dim3A_46, %broadcast_in_dim3A_51 : vector<256x1xf32>
    %add3A_53 = arith.addf %add3A_52, %broadcast_in_dim3A_39 : vector<256x1xf32>
    %get3A_54 = arith.constant 0 : index
    %get3A_55 = arith.constant 0 : index
    %get3A_56 = vector.load %arg2[%get3A_54, %get3A_55] : memref<4096x16xf32, #tpu.memory_space<vmem>>, vector<4096x16xf32>
    %get3A_57 = arith.constant 0 : index
    %get3A_58 = arith.constant 0 : index
    %get3A_59 = vector.load %arg4[%get3A_57, %get3A_58] : memref<256x16xf32, #tpu.memory_space<vmem>>, vector<256x16xf32>
    %reduce_sum3A_60 = arith.constant dense<0.000000e+00> : vector<16xf32>
    %reduce_sum3A_61 = vector.multi_reduction <add>, %get3A_56, %reduce_sum3A_60 [0] : vector<4096x16xf32> to vector<16xf32>
    %broadcast_in_dim3A_62 = vector.shape_cast %reduce_sum3A_61 : vector<16xf32> to vector<1x16xf32>
    %dot_general3A_63 = arith.constant dense<0.000000e+00> : vector<1x16xf32>
    %dot_general3A_64 = tpu.matmul %broadcast_in_dim3A_62, %convert_element_type3A_6, %dot_general3A_63 {dimension_numbers = #tpu.dot_dimension_numbers<[1], [0], [0], [1], [0, 0, 1, 1], [], []>, precision = #tpu.contract_precision<fp32>, transpose_lhs_hint = false} : vector<1x16xf32>, vector<16x16xf32>, vector<1x16xf32> -> vector<1x16xf32>
    %get3A_65 = arith.constant 0 : index
    %get3A_66 = arith.constant 0 : index
    %get3A_67 = vector.load %arg12[%get3A_65, %get3A_66] : memref<1x16xf32, #tpu.memory_space<vmem>>, vector<1x16xf32>
    %reduce_sum3A_68 = arith.constant dense<0.000000e+00> : vector<16xf32>
    %reduce_sum3A_69 = vector.multi_reduction <add>, %get3A_59, %reduce_sum3A_68 [0] : vector<256x16xf32> to vector<16xf32>
    %broadcast_in_dim3A_70 = vector.shape_cast %reduce_sum3A_69 : vector<16xf32> to vector<1x16xf32>
    %add3A_71 = arith.addf %get3A_67, %broadcast_in_dim3A_70 : vector<1x16xf32>
    %swap3A_72 = arith.constant 0 : index
    %swap3A_73 = arith.constant 0 : index
    %swap3A_74 = vector.load %arg12[%swap3A_72, %swap3A_73] : memref<1x16xf32, #tpu.memory_space<vmem>>, vector<1x16xf32>
    tpu.vector_store %arg12[%swap3A_72, %swap3A_73], %add3A_71 {strides = array<i32>} : memref<1x16xf32, #tpu.memory_space<vmem>>, vector<1x16xf32>,
    %dot_general3A_75 = arith.constant dense<0.000000e+00> : vector<256x256xf32>
    %dot_general3A_76 = tpu.matmul %get3A_59, %get3A_59, %dot_general3A_75 {dimension_numbers = #tpu.dot_dimension_numbers<[1], [1], [0], [0], [0, 0, 1, 0], [], []>, transpose_lhs_hint = false} : vector<256x16xf32>, vector<256x16xf32>, vector<256x256xf32> -> vector<256x256xf32>
    %iota3A_77 = tpu.iota {dimensions = array<i32: 1>} : vector<256x256xi32>
    %convert_element_type3A_78 = arith.sitofp %iota3A_77 : vector<256x256xi32> to vector<256x256xf32>
    %iota3A_79 = tpu.iota {dimensions = array<i32: 0>} : vector<256x256xi32>
    %convert_element_type3A_80 = arith.sitofp %iota3A_79 : vector<256x256xi32> to vector<256x256xf32>
    %lt3A_81 = arith.cmpf olt, %convert_element_type3A_78, %convert_element_type3A_80 : vector<256x256xf32>
    %convert_element_type3A_82 = arith.extui %lt3A_81 : vector<256x256xi1> to vector<256x256xi32>
    %convert_element_type3A_83 = arith.sitofp %convert_element_type3A_82 : vector<256x256xi32> to vector<256x256xf32>
    %mul3A_84 = arith.mulf %dot_general3A_76, %convert_element_type3A_83 : vector<256x256xf32>
    %reduce_sum3A_85 = arith.constant dense<0.000000e+00> : vector<256xf32>
    %reduce_sum3A_86 = vector.multi_reduction <add>, %mul3A_84, %reduce_sum3A_85 [1] : vector<256x256xf32> to vector<256xf32>
    %broadcast_in_dim3A_87 = vector.shape_cast %reduce_sum3A_86 : vector<256xf32> to vector<256x1xf32>
    %transpose3A_88 = tpu.transpose %convert_element_type3A_6, [1, 0] : vector<16x16xf32> -> vector<16x16xf32>
    %dot_general3A_89 = arith.constant dense<0.000000e+00> : vector<256x16xf32>
    %dot_general3A_90 = tpu.matmul %get3A_59, %transpose3A_88, %dot_general3A_89 {dimension_numbers = #tpu.dot_dimension_numbers<[1], [0], [0], [1], [0, 0, 1, 1], [], []>, transpose_lhs_hint = false} : vector<256x16xf32>, vector<16x16xf32>, vector<256x16xf32> -> vector<256x16xf32>
    %mul3A_91 = vector.broadcast %broadcast_in_dim3A_62 : vector<1x16xf32> to vector<256x16xf32>
    %mul3A_92 = arith.mulf %dot_general3A_90, %mul3A_91 : vector<256x16xf32>
    %reduce_sum3A_93 = arith.constant dense<0.000000e+00> : vector<256xf32>
    %reduce_sum3A_94 = vector.multi_reduction <add>, %mul3A_92, %reduce_sum3A_93 [1] : vector<256x16xf32> to vector<256xf32>
    %broadcast_in_dim3A_95 = vector.shape_cast %reduce_sum3A_94 : vector<256xf32> to vector<256x1xf32>
    %mul3A_96 = vector.broadcast %get3A_67 : vector<1x16xf32> to vector<256x16xf32>
    %mul3A_97 = arith.mulf %get3A_59, %mul3A_96 : vector<256x16xf32>
    %reduce_sum3A_98 = arith.constant dense<0.000000e+00> : vector<256xf32>
    %reduce_sum3A_99 = vector.multi_reduction <add>, %mul3A_97, %reduce_sum3A_98 [1] : vector<256x16xf32> to vector<256xf32>
    %broadcast_in_dim3A_100 = vector.shape_cast %reduce_sum3A_99 : vector<256xf32> to vector<256x1xf32>
    %add3A_101 = arith.addf %broadcast_in_dim3A_95, %broadcast_in_dim3A_100 : vector<256x1xf32>
    %add3A_102 = arith.addf %add3A_101, %broadcast_in_dim3A_87 : vector<256x1xf32>
    %convert_element_type3A_103 = arith.fptosi %add3A_53 : vector<256x1xf32> to vector<256x1xi32>
    %swap3A_104 = arith.constant 0 : index
    %swap3A_105 = arith.constant 0 : index
    %swap3A_106 = vector.load %arg5[%swap3A_104, %swap3A_105] : memref<256x1xi32, #tpu.memory_space<vmem>>, vector<256x1xi32>
    tpu.vector_store %arg5[%swap3A_104, %swap3A_105], %convert_element_type3A_103 {strides = array<i32>} : memref<256x1xi32, #tpu.memory_space<vmem>>, vector<256x1xi32>,
    %convert_element_type3A_107 = arith.fptosi %add3A_102 : vector<256x1xf32> to vector<256x1xi32>
    %swap3A_108 = arith.constant 0 : index
    %swap3A_109 = arith.constant 0 : index
    %swap3A_110 = vector.load %arg6[%swap3A_108, %swap3A_109] : memref<256x1xi32, #tpu.memory_space<vmem>>, vector<256x1xi32>
    tpu.vector_store %arg6[%swap3A_108, %swap3A_109], %convert_element_type3A_107 {strides = array<i32>} : memref<256x1xi32, #tpu.memory_space<vmem>>, vector<256x1xi32>,
    %swap3A_111 = arith.constant 0 : index
    %swap3A_112 = arith.constant 0 : index
    %swap3A_113 = vector.load %arg7[%swap3A_111, %swap3A_112] : memref<1x16xf32, #tpu.memory_space<vmem>>, vector<1x16xf32>
    tpu.vector_store %arg7[%swap3A_111, %swap3A_112], %broadcast_in_dim3A {strides = array<i32>} : memref<1x16xf32, #tpu.memory_space<vmem>>, vector<1x16xf32>,
    %swap3A_114 = arith.constant 0 : index
    %swap3A_115 = arith.constant 0 : index
    %swap3A_116 = vector.load %arg8[%swap3A_114, %swap3A_115] : memref<1x16xf32, #tpu.memory_space<vmem>>, vector<1x16xf32>
    tpu.vector_store %arg8[%swap3A_114, %swap3A_115], %dot_general3A_19 {strides = array<i32>} : memref<1x16xf32, #tpu.memory_space<vmem>>, vector<1x16xf32>,
    %swap3A_117 = arith.constant 0 : index
    %swap3A_118 = arith.constant 0 : index
    %swap3A_119 = vector.load %arg9[%swap3A_117, %swap3A_118] : memref<1x16xf32, #tpu.memory_space<vmem>>, vector<1x16xf32>
    tpu.vector_store %arg9[%swap3A_117, %swap3A_118], %dot_general3A_64 {strides = array<i32>} : memref<1x16xf32, #tpu.memory_space<vmem>>, vector<1x16xf32>,
    %mul3A_120 = arith.constant 512 : i32
    %mul3A_121 = arith.muli %arg0, %mul3A_120 : i32
    %convert_element_type3A_122 = arith.sitofp %mul3A_121 : i32 to f32
    %le3A = vector.broadcast %convert_element_type3A_122 : f32 to vector<1x16xf32>
    %le3A_123 = arith.cmpf ole, %dot_general3A_64, %le3A : vector<1x16xf32>
    %convert_element_type3A_124 = arith.extui %le3A_123 : vector<1x16xi1> to vector<1x16xi32>
    %convert_element_type3A_125 = arith.sitofp %convert_element_type3A_124 : vector<1x16xi32> to vector<1x16xf32>
    %mul3A_126 = arith.mulf %convert_element_type3A_125, %convert_element_type3A_12 : vector<1x16xf32>
    %reduce_sum3A_127 = arith.constant dense<0.000000e+00> : vector<1xf32>
    %reduce_sum3A_128 = vector.multi_reduction <add>, %mul3A_126, %reduce_sum3A_127 [1] : vector<1x16xf32> to vector<1xf32>
    %broadcast_in_dim3A_129 = vector.shape_cast %reduce_sum3A_128 : vector<1xf32> to vector<1x1xf32>
    %add3A_130 = arith.constant 5.110000e+02 : f32
    %add3A_131 = arith.addf %convert_element_type3A_122, %add3A_130 : f32
    %le3A_132 = vector.broadcast %add3A_131 : f32 to vector<1x16xf32>
    %le3A_133 = arith.cmpf ole, %dot_general3A_64, %le3A_132 : vector<1x16xf32>
    %convert_element_type3A_134 = arith.extui %le3A_133 : vector<1x16xi1> to vector<1x16xi32>
    %convert_element_type3A_135 = arith.sitofp %convert_element_type3A_134 : vector<1x16xi32> to vector<1x16xf32>
    %mul3A_136 = arith.mulf %convert_element_type3A_135, %convert_element_type3A_12 : vector<1x16xf32>
    %reduce_sum3A_137 = arith.constant dense<0.000000e+00> : vector<1xf32>
    %reduce_sum3A_138 = vector.multi_reduction <add>, %mul3A_136, %reduce_sum3A_137 [1] : vector<1x16xf32> to vector<1xf32>
    %broadcast_in_dim3A_139 = vector.shape_cast %reduce_sum3A_138 : vector<1xf32> to vector<1x1xf32>
    %eq3A_140 = vector.broadcast %broadcast_in_dim3A_129 : vector<1x1xf32> to vector<1x16xf32>
    %eq3A_141 = arith.cmpf oeq, %convert_element_type3A_8, %eq3A_140 : vector<1x16xf32>
    %convert_element_type3A_142 = arith.extui %eq3A_141 : vector<1x16xi1> to vector<1x16xi32>
    %convert_element_type3A_143 = arith.sitofp %convert_element_type3A_142 : vector<1x16xi32> to vector<1x16xf32>
    %mul3A_144 = arith.mulf %dot_general3A_19, %convert_element_type3A_143 : vector<1x16xf32>
    %reduce_sum3A_145 = arith.constant dense<0.000000e+00> : vector<1xf32>
    %reduce_sum3A_146 = vector.multi_reduction <add>, %mul3A_144, %reduce_sum3A_145 [1] : vector<1x16xf32> to vector<1xf32>
    %broadcast_in_dim3A_147 = vector.shape_cast %reduce_sum3A_146 : vector<1xf32> to vector<1x1xf32>
    %add3A_148 = arith.constant 1.000000e+00 : f32
    %add3A_149 = vector.broadcast %add3A_148 : f32 to vector<1x1xf32>
    %add3A_150 = arith.addf %broadcast_in_dim3A_139, %add3A_149 : vector<1x1xf32>
    %eq3A_151 = vector.broadcast %add3A_150 : vector<1x1xf32> to vector<1x16xf32>
    %eq3A_152 = arith.cmpf oeq, %convert_element_type3A_8, %eq3A_151 : vector<1x16xf32>
    %convert_element_type3A_153 = arith.extui %eq3A_152 : vector<1x16xi1> to vector<1x16xi32>
    %convert_element_type3A_154 = arith.sitofp %convert_element_type3A_153 : vector<1x16xi32> to vector<1x16xf32>
    %mul3A_155 = arith.mulf %dot_general3A_19, %convert_element_type3A_154 : vector<1x16xf32>
    %reduce_sum3A_156 = arith.constant dense<0.000000e+00> : vector<1xf32>
    %reduce_sum3A_157 = vector.multi_reduction <add>, %mul3A_155, %reduce_sum3A_156 [1] : vector<1x16xf32> to vector<1xf32>
    %broadcast_in_dim3A_158 = vector.shape_cast %reduce_sum3A_157 : vector<1xf32> to vector<1x1xf32>
    %div3A = arith.constant 5.120000e+02 : f32
    %div3A_159 = vector.broadcast %div3A : f32 to vector<1x1xf32>
    %div3A_160 = arith.divf %broadcast_in_dim3A_147, %div3A_159 : vector<1x1xf32>
    %floor3A = math.floor %div3A_160 : vector<1x1xf32>
    %add3A_161 = arith.constant 5.110000e+02 : f32
    %add3A_162 = vector.broadcast %add3A_161 : f32 to vector<1x1xf32>
    %add3A_163 = arith.addf %broadcast_in_dim3A_158, %add3A_162 : vector<1x1xf32>
    %div3A_164 = arith.constant 5.120000e+02 : f32
    %div3A_165 = vector.broadcast %div3A_164 : f32 to vector<1x1xf32>
    %div3A_166 = arith.divf %add3A_163, %div3A_165 : vector<1x1xf32>
    %floor3A_167 = math.floor %div3A_166 : vector<1x1xf32>
    %sub3A = arith.subf %floor3A_167, %floor3A : vector<1x1xf32>
    %mul3A_168 = arith.constant 512 : i32
    %mul3A_169 = arith.muli %arg0, %mul3A_168 : i32
    %convert_element_type3A_170 = arith.sitofp %mul3A_169 : i32 to f32
    %le3A_171 = vector.broadcast %convert_element_type3A_170 : f32 to vector<1x16xf32>
    %le3A_172 = arith.cmpf ole, %dot_general3A_19, %le3A_171 : vector<1x16xf32>
    %convert_element_type3A_173 = arith.extui %le3A_172 : vector<1x16xi1> to vector<1x16xi32>
    %convert_element_type3A_174 = arith.sitofp %convert_element_type3A_173 : vector<1x16xi32> to vector<1x16xf32>
    %mul3A_175 = arith.mulf %convert_element_type3A_174, %convert_element_type3A_12 : vector<1x16xf32>
    %reduce_sum3A_176 = arith.constant dense<0.000000e+00> : vector<1xf32>
    %reduce_sum3A_177 = vector.multi_reduction <add>, %mul3A_175, %reduce_sum3A_176 [1] : vector<1x16xf32> to vector<1xf32>
    %broadcast_in_dim3A_178 = vector.shape_cast %reduce_sum3A_177 : vector<1xf32> to vector<1x1xf32>
    %add3A_179 = arith.constant 5.110000e+02 : f32
    %add3A_180 = arith.addf %convert_element_type3A_170, %add3A_179 : f32
    %le3A_181 = vector.broadcast %add3A_180 : f32 to vector<1x16xf32>
    %le3A_182 = arith.cmpf ole, %dot_general3A_19, %le3A_181 : vector<1x16xf32>
    %convert_element_type3A_183 = arith.extui %le3A_182 : vector<1x16xi1> to vector<1x16xi32>
    %convert_element_type3A_184 = arith.sitofp %convert_element_type3A_183 : vector<1x16xi32> to vector<1x16xf32>
    %mul3A_185 = arith.mulf %convert_element_type3A_184, %convert_element_type3A_12 : vector<1x16xf32>
    %reduce_sum3A_186 = arith.constant dense<0.000000e+00> : vector<1xf32>
    %reduce_sum3A_187 = vector.multi_reduction <add>, %mul3A_185, %reduce_sum3A_186 [1] : vector<1x16xf32> to vector<1xf32>
    %broadcast_in_dim3A_188 = vector.shape_cast %reduce_sum3A_187 : vector<1xf32> to vector<1x1xf32>
    %iota3A_189 = tpu.iota {dimensions = array<i32: 1>} : vector<1x128xi32>
    %convert_element_type3A_190 = arith.sitofp %iota3A_189 : vector<1x128xi32> to vector<1x128xf32>
    %eq3A_191 = arith.constant 0.000000e+00 : f32
    %eq3A_192 = vector.broadcast %eq3A_191 : f32 to vector<1x128xf32>
    %eq3A_193 = arith.cmpf oeq, %convert_element_type3A_190, %eq3A_192 : vector<1x128xf32>
    %convert_element_type3A_194 = arith.extui %eq3A_193 : vector<1x128xi1> to vector<1x128xi32>
    %convert_element_type3A_195 = arith.sitofp %convert_element_type3A_194 : vector<1x128xi32> to vector<1x128xf32>
    %mul3A_196 = vector.broadcast %floor3A : vector<1x1xf32> to vector<1x128xf32>
    %mul3A_197 = arith.mulf %mul3A_196, %convert_element_type3A_195 : vector<1x128xf32>
    %eq3A_198 = arith.constant 1.000000e+00 : f32
    %eq3A_199 = vector.broadcast %eq3A_198 : f32 to vector<1x128xf32>
    %eq3A_200 = arith.cmpf oeq, %convert_element_type3A_190, %eq3A_199 : vector<1x128xf32>
    %convert_element_type3A_201 = arith.extui %eq3A_200 : vector<1x128xi1> to vector<1x128xi32>
    %convert_element_type3A_202 = arith.sitofp %convert_element_type3A_201 : vector<1x128xi32> to vector<1x128xf32>
    %mul3A_203 = vector.broadcast %sub3A : vector<1x1xf32> to vector<1x128xf32>
    %mul3A_204 = arith.mulf %mul3A_203, %convert_element_type3A_202 : vector<1x128xf32>
    %add3A_205 = arith.addf %mul3A_197, %mul3A_204 : vector<1x128xf32>
    %eq3A_206 = arith.constant 2.000000e+00 : f32
    %eq3A_207 = vector.broadcast %eq3A_206 : f32 to vector<1x128xf32>
    %eq3A_208 = arith.cmpf oeq, %convert_element_type3A_190, %eq3A_207 : vector<1x128xf32>
    %convert_element_type3A_209 = arith.extui %eq3A_208 : vector<1x128xi1> to vector<1x128xi32>
    %convert_element_type3A_210 = arith.sitofp %convert_element_type3A_209 : vector<1x128xi32> to vector<1x128xf32>
    %mul3A_211 = vector.broadcast %broadcast_in_dim3A_129 : vector<1x1xf32> to vector<1x128xf32>
    %mul3A_212 = arith.mulf %mul3A_211, %convert_element_type3A_210 : vector<1x128xf32>
    %add3A_213 = arith.addf %add3A_205, %mul3A_212 : vector<1x128xf32>
    %sub3A_214 = arith.subf %broadcast_in_dim3A_139, %broadcast_in_dim3A_129 : vector<1x1xf32>
    %add3A_215 = arith.constant 1.000000e+00 : f32
    %add3A_216 = vector.broadcast %add3A_215 : f32 to vector<1x1xf32>
    %add3A_217 = arith.addf %sub3A_214, %add3A_216 : vector<1x1xf32>
    %eq3A_218 = arith.constant 3.000000e+00 : f32
    %eq3A_219 = vector.broadcast %eq3A_218 : f32 to vector<1x128xf32>
    %eq3A_220 = arith.cmpf oeq, %convert_element_type3A_190, %eq3A_219 : vector<1x128xf32>
    %convert_element_type3A_221 = arith.extui %eq3A_220 : vector<1x128xi1> to vector<1x128xi32>
    %convert_element_type3A_222 = arith.sitofp %convert_element_type3A_221 : vector<1x128xi32> to vector<1x128xf32>
    %mul3A_223 = vector.broadcast %add3A_217 : vector<1x1xf32> to vector<1x128xf32>
    %mul3A_224 = arith.mulf %mul3A_223, %convert_element_type3A_222 : vector<1x128xf32>
    %add3A_225 = arith.addf %add3A_213, %mul3A_224 : vector<1x128xf32>
    %eq3A_226 = arith.constant 4.000000e+00 : f32
    %eq3A_227 = vector.broadcast %eq3A_226 : f32 to vector<1x128xf32>
    %eq3A_228 = arith.cmpf oeq, %convert_element_type3A_190, %eq3A_227 : vector<1x128xf32>
    %convert_element_type3A_229 = arith.extui %eq3A_228 : vector<1x128xi1> to vector<1x128xi32>
    %convert_element_type3A_230 = arith.sitofp %convert_element_type3A_229 : vector<1x128xi32> to vector<1x128xf32>
    %mul3A_231 = vector.broadcast %broadcast_in_dim3A_178 : vector<1x1xf32> to vector<1x128xf32>
    %mul3A_232 = arith.mulf %mul3A_231, %convert_element_type3A_230 : vector<1x128xf32>
    %add3A_233 = arith.addf %add3A_225, %mul3A_232 : vector<1x128xf32>
    %sub3A_234 = arith.subf %broadcast_in_dim3A_188, %broadcast_in_dim3A_178 : vector<1x1xf32>
    %add3A_235 = arith.constant 1.000000e+00 : f32
    %add3A_236 = vector.broadcast %add3A_235 : f32 to vector<1x1xf32>
    %add3A_237 = arith.addf %sub3A_234, %add3A_236 : vector<1x1xf32>
    %eq3A_238 = arith.constant 5.000000e+00 : f32
    %eq3A_239 = vector.broadcast %eq3A_238 : f32 to vector<1x128xf32>
    %eq3A_240 = arith.cmpf oeq, %convert_element_type3A_190, %eq3A_239 : vector<1x128xf32>
    %convert_element_type3A_241 = arith.extui %eq3A_240 : vector<1x128xi1> to vector<1x128xi32>
    %convert_element_type3A_242 = arith.sitofp %convert_element_type3A_241 : vector<1x128xi32> to vector<1x128xf32>
    %mul3A_243 = vector.broadcast %add3A_237 : vector<1x1xf32> to vector<1x128xf32>
    %mul3A_244 = arith.mulf %mul3A_243, %convert_element_type3A_242 : vector<1x128xf32>
    %add3A_245 = arith.addf %add3A_233, %mul3A_244 : vector<1x128xf32>
    %convert_element_type3A_246 = arith.fptosi %add3A_245 : vector<1x128xf32> to vector<1x128xi32>
    %reshape3A = vector.shape_cast %convert_element_type3A_246 : vector<1x128xi32> to vector<1x1x128xi32>
    %swap3A_247 = arith.constant 0 : index
    %swap3A_248 = arith.constant 0 : index
    %swap3A_249 = arith.constant 0 : index
    %swap3A_250 = vector.load %arg10[%swap3A_247, %swap3A_248, %swap3A_249] : memref<1x1x128xi32, #tpu.memory_space<vmem>>, vector<1x1x128xi32>
    tpu.vector_store %arg10[%swap3A_247, %swap3A_248, %swap3A_249], %reshape3A {strides = array<i32>} : memref<1x1x128xi32, #tpu.memory_space<vmem>>, vector<1x1x128xi32>,
    return
  }
  func.func @transform_0(%arg0: i32) -> (i32, i32) {
    %c0_i32 = arith.constant 0 : i32
    %c0_i32_0 = arith.constant 0 : i32
    %c0_i32_1 = arith.constant 0 : i32
    return %c0_i32, %c0_i32_0 : i32, i32
  }
  func.func @transform_1(%arg0: i32) -> (i32, i32) {
    %c0_i32 = arith.constant 0 : i32
    %c0_i32_0 = arith.constant 0 : i32
    %c0_i32_1 = arith.constant 0 : i32
    return %c0_i32, %c0_i32_0 : i32, i32
  }
  func.func @transform_2(%arg0: i32) -> (i32, i32) {
    %c0_i32 = arith.constant 0 : i32
    %c0_i32_0 = arith.constant 0 : i32
    return %arg0, %c0_i32 : i32, i32
  }
  func.func @transform_3(%arg0: i32) -> (i32, i32) {
    %c0_i32 = arith.constant 0 : i32
    %c0_i32_0 = arith.constant 0 : i32
    return %arg0, %c0_i32 : i32, i32
  }
  func.func @transform_4(%arg0: i32) -> (i32, i32) {
    %c0_i32 = arith.constant 0 : i32
    %c0_i32_0 = arith.constant 0 : i32
    return %arg0, %c0_i32 : i32, i32
  }
  func.func @transform_5(%arg0: i32) -> (i32, i32) {
    %c0_i32 = arith.constant 0 : i32
    %c0_i32_0 = arith.constant 0 : i32
    return %arg0, %c0_i32 : i32, i32
  }
  func.func @transform_6(%arg0: i32) -> (i32, i32) {
    %c0_i32 = arith.constant 0 : i32
    %c0_i32_0 = arith.constant 0 : i32
    %c0_i32_1 = arith.constant 0 : i32
    return %c0_i32, %c0_i32_0 : i32, i32
  }
  func.func @transform_7(%arg0: i32) -> (i32, i32) {
    %c0_i32 = arith.constant 0 : i32
    %c0_i32_0 = arith.constant 0 : i32
    %c0_i32_1 = arith.constant 0 : i32
    return %c0_i32, %c0_i32_0 : i32, i32
  }
  func.func @transform_8(%arg0: i32) -> (i32, i32) {
    %c0_i32 = arith.constant 0 : i32
    %c0_i32_0 = arith.constant 0 : i32
    %c0_i32_1 = arith.constant 0 : i32
    return %c0_i32, %c0_i32_0 : i32, i32
  }
  func.func @transform_9(%arg0: i32) -> (i32, i32, i32) {
    %c0_i32 = arith.constant 0 : i32
    %c0_i32_0 = arith.constant 0 : i32
    %c0_i32_1 = arith.constant 0 : i32
    return %arg0, %c0_i32, %c0_i32_0 : i32, i32, i32
  }
}

module attributes {stable_mosaic.version = 14 : i64} {
  func.func @_proj_kernel(%arg0: i32, %arg1: memref<16x8xi32, #tpu.memory_space<smem>>, %arg2: memref<512x256xf32, #tpu.memory_space<vmem>>, %arg3: memref<512x256xf32, #tpu.memory_space<vmem>>, %arg4: memref<1x16xf32, #tpu.memory_space<vmem>>, %arg5: memref<9x256x256xf32, #tpu.memory_space<vmem>>, %arg6: memref<9x256xf32, #tpu.memory_space<vmem>>, %arg7: memref<9x256x256xf32, #tpu.memory_space<vmem>>, %arg8: memref<9x256xf32, #tpu.memory_space<vmem>>, %arg9: memref<512x256xbf16, #tpu.memory_space<vmem>>, %arg10: memref<512x256xbf16, #tpu.memory_space<vmem>>) attributes {dimension_semantics = [#tpu.dimension_semantics<arbitrary>], iteration_bounds = array<i64: 8>, scalar_prefetch = 1 : i64, scratch_operands = 0 : i64, tpu.core_type = #tpu.core_type<tc>, window_params = [{transform_indices = @transform_0, window_bounds = array<i64: 512, 256>}, {transform_indices = @transform_1, window_bounds = array<i64: 512, 256>}, {pipeline_mode = #tpu.pipeline_mode<synchronous>, transform_indices = @transform_2, window_bounds = array<i64: 1, 16>}, {pipeline_mode = #tpu.pipeline_mode<synchronous>, transform_indices = @transform_3, window_bounds = array<i64: 9, 256, 256>}, {pipeline_mode = #tpu.pipeline_mode<synchronous>, transform_indices = @transform_4, window_bounds = array<i64: 9, 256>}, {pipeline_mode = #tpu.pipeline_mode<synchronous>, transform_indices = @transform_5, window_bounds = array<i64: 9, 256, 256>}, {pipeline_mode = #tpu.pipeline_mode<synchronous>, transform_indices = @transform_6, window_bounds = array<i64: 9, 256>}, {transform_indices = @transform_7, window_bounds = array<i64: 512, 256>}, {transform_indices = @transform_8, window_bounds = array<i64: 512, 256>}]} {
    %get3A = arith.index_cast %arg0 : i32 to index
    %get3A_0 = arith.constant 4 : index
    %get3A_1 = memref.load %arg1[%get3A, %get3A_0] : memref<16x8xi32, #tpu.memory_space<smem>>
    %get3A_2 = arith.index_cast %arg0 : i32 to index
    %get3A_3 = arith.constant 5 : index
    %get3A_4 = memref.load %arg1[%get3A_2, %get3A_3] : memref<16x8xi32, #tpu.memory_space<smem>>
    %get3A_5 = arith.constant 0 : index
    %get3A_6 = arith.constant 0 : index
    %get3A_7 = vector.load %arg4[%get3A_5, %get3A_6] : memref<1x16xf32, #tpu.memory_space<vmem>>, vector<1x16xf32>
    %mul3A = arith.constant 512 : i32
    %mul3A_8 = arith.muli %arg0, %mul3A : i32
    %convert_element_type3A = arith.sitofp %mul3A_8 : i32 to f32
    %iota3A = tpu.iota {dimensions = array<i32: 0>} : vector<512x16xi32>
    %convert_element_type3A_9 = arith.sitofp %iota3A : vector<512x16xi32> to vector<512x16xf32>
    %add3A = vector.broadcast %convert_element_type3A : f32 to vector<512x16xf32>
    %add3A_10 = arith.addf %add3A, %convert_element_type3A_9 : vector<512x16xf32>
    %iota3A_11 = tpu.iota {dimensions = array<i32: 1>} : vector<512x16xi32>
    %convert_element_type3A_12 = arith.sitofp %iota3A_11 : vector<512x16xi32> to vector<512x16xf32>
    %ge3A = arith.constant 1.000000e+00 : f32
    %ge3A_13 = vector.broadcast %ge3A : f32 to vector<512x16xf32>
    %ge3A_14 = arith.cmpf oge, %convert_element_type3A_12, %ge3A_13 : vector<512x16xf32>
    %convert_element_type3A_15 = arith.extui %ge3A_14 : vector<512x16xi1> to vector<512x16xi32>
    %convert_element_type3A_16 = arith.sitofp %convert_element_type3A_15 : vector<512x16xi32> to vector<512x16xf32>
    %le3A = vector.broadcast %get3A_7 : vector<1x16xf32> to vector<512x16xf32>
    %le3A_17 = arith.cmpf ole, %le3A, %add3A_10 : vector<512x16xf32>
    %convert_element_type3A_18 = arith.extui %le3A_17 : vector<512x16xi1> to vector<512x16xi32>
    %convert_element_type3A_19 = arith.sitofp %convert_element_type3A_18 : vector<512x16xi32> to vector<512x16xf32>
    %mul3A_20 = arith.mulf %convert_element_type3A_19, %convert_element_type3A_16 : vector<512x16xf32>
    %reduce_sum3A = arith.constant dense<0.000000e+00> : vector<512xf32>
    %reduce_sum3A_21 = vector.multi_reduction <add>, %mul3A_20, %reduce_sum3A [1] : vector<512x16xf32> to vector<512xf32>
    %broadcast_in_dim3A = vector.shape_cast %reduce_sum3A_21 : vector<512xf32> to vector<512x1xf32>
    %get3A_22 = arith.constant 0 : index
    %get3A_23 = arith.constant 0 : index
    %get3A_24 = vector.load %arg2[%get3A_22, %get3A_23] : memref<512x256xf32, #tpu.memory_space<vmem>>, vector<512x256xf32>
    %convert_element_type3A_25 = arith.truncf %get3A_24 : vector<512x256xf32> to vector<512x256xbf16>
    %get3A_26 = arith.constant 0 : index
    %get3A_27 = arith.constant 0 : index
    %get3A_28 = vector.load %arg3[%get3A_26, %get3A_27] : memref<512x256xf32, #tpu.memory_space<vmem>>, vector<512x256xf32>
    %convert_element_type3A_29 = arith.truncf %get3A_28 : vector<512x256xf32> to vector<512x256xbf16>
    %broadcast_in_dim3A_30 = arith.constant 0.000000e+00 : f32
    %broadcast_in_dim3A_31 = vector.broadcast %broadcast_in_dim3A_30 : f32 to vector<512x256xf32>
    %broadcast_in_dim3A_32 = arith.constant 0.000000e+00 : f32
    %broadcast_in_dim3A_33 = vector.broadcast %broadcast_in_dim3A_32 : f32 to vector<512x256xf32>
    %add3A_34 = arith.addi %get3A_1, %get3A_4 : i32
    %while3A = arith.subi %add3A_34, %get3A_1 : i32
    %while3A_35 = arith.addi %get3A_1, %while3A : i32
    %while3A_36 = arith.constant 1 : i32
    %while3A_37 = arith.divsi %while3A, %while3A_36 : i32
    %while3A_38 = arith.muli %while3A_37, %while3A_36 : i32
    %while3A_39 = arith.addi %get3A_1, %while3A_38 : i32
    %while3A_40 = arith.constant 1 : i32
    %while3A_41:2 = scf.for %while3A_51 = %get3A_1 to %while3A_39 step %while3A_40 iter_args(%while3A_52 = %broadcast_in_dim3A_31, %while3A_53 = %broadcast_in_dim3A_33) -> (vector<512x256xf32>, vector<512x256xf32>)  : i32 {
      %convert_element_type3A_54 = arith.sitofp %while3A_51 : i32 to f32
      %eq3A = vector.broadcast %convert_element_type3A_54 : f32 to vector<512x1xf32>
      %eq3A_55 = arith.cmpf oeq, %broadcast_in_dim3A, %eq3A : vector<512x1xf32>
      %convert_element_type3A_56 = arith.extui %eq3A_55 : vector<512x1xi1> to vector<512x1xi32>
      %convert_element_type3A_57 = arith.sitofp %convert_element_type3A_56 : vector<512x1xi32> to vector<512x1xf32>
      %get3A_58 = arith.index_cast %while3A_51 : i32 to index
      %get3A_59 = arith.constant 0 : index
      %get3A_60 = arith.constant 0 : index
      %get3A_61 = vector.load %arg5[%get3A_58, %get3A_59, %get3A_60] : memref<9x256x256xf32, #tpu.memory_space<vmem>>, vector<1x256x256xf32>
      %get3A_62 = vector.shape_cast %get3A_61 : vector<1x256x256xf32> to vector<256x256xf32>
      %convert_element_type3A_63 = arith.truncf %get3A_62 : vector<256x256xf32> to vector<256x256xbf16>
      %get3A_64 = arith.index_cast %while3A_51 : i32 to index
      %get3A_65 = arith.constant 0 : index
      %get3A_66 = arith.constant 0 : index
      %get3A_67 = vector.load %arg7[%get3A_64, %get3A_65, %get3A_66] : memref<9x256x256xf32, #tpu.memory_space<vmem>>, vector<1x256x256xf32>
      %get3A_68 = vector.shape_cast %get3A_67 : vector<1x256x256xf32> to vector<256x256xf32>
      %convert_element_type3A_69 = arith.truncf %get3A_68 : vector<256x256xf32> to vector<256x256xbf16>
      %dot_general3A = arith.constant dense<0.000000e+00> : vector<512x256xf32>
      %dot_general3A_70 = tpu.matmul %convert_element_type3A_25, %convert_element_type3A_63, %dot_general3A {dimension_numbers = #tpu.dot_dimension_numbers<[1], [1], [0], [0], [0, 0, 1, 0], [], []>, transpose_lhs_hint = false} : vector<512x256xbf16>, vector<256x256xbf16>, vector<512x256xf32> -> vector<512x256xf32>
      %dot_general3A_71 = arith.constant dense<0.000000e+00> : vector<512x256xf32>
      %dot_general3A_72 = tpu.matmul %convert_element_type3A_29, %convert_element_type3A_69, %dot_general3A_71 {dimension_numbers = #tpu.dot_dimension_numbers<[1], [1], [0], [0], [0, 0, 1, 0], [], []>, transpose_lhs_hint = false} : vector<512x256xbf16>, vector<256x256xbf16>, vector<512x256xf32> -> vector<512x256xf32>
      %get3A_73 = arith.index_cast %while3A_51 : i32 to index
      %get3A_74 = arith.constant 0 : index
      %get3A_75 = vector.load %arg6[%get3A_73, %get3A_74] : memref<9x256xf32, #tpu.memory_space<vmem>>, vector<1x256xf32>
      %add3A_76 = vector.broadcast %get3A_75 : vector<1x256xf32> to vector<512x256xf32>
      %add3A_77 = arith.addf %dot_general3A_70, %add3A_76 : vector<512x256xf32>
      %mul3A_78 = vector.broadcast %convert_element_type3A_57 : vector<512x1xf32> to vector<512x256xf32>
      %mul3A_79 = arith.mulf %mul3A_78, %add3A_77 : vector<512x256xf32>
      %add3A_80 = arith.addf %while3A_52, %mul3A_79 : vector<512x256xf32>
      %get3A_81 = arith.index_cast %while3A_51 : i32 to index
      %get3A_82 = arith.constant 0 : index
      %get3A_83 = vector.load %arg8[%get3A_81, %get3A_82] : memref<9x256xf32, #tpu.memory_space<vmem>>, vector<1x256xf32>
      %add3A_84 = vector.broadcast %get3A_83 : vector<1x256xf32> to vector<512x256xf32>
      %add3A_85 = arith.addf %dot_general3A_72, %add3A_84 : vector<512x256xf32>
      %mul3A_86 = vector.broadcast %convert_element_type3A_57 : vector<512x1xf32> to vector<512x256xf32>
      %mul3A_87 = arith.mulf %mul3A_86, %add3A_85 : vector<512x256xf32>
      %add3A_88 = arith.addf %while3A_53, %mul3A_87 : vector<512x256xf32>
      scf.yield %add3A_80, %add3A_88 : vector<512x256xf32>, vector<512x256xf32>
    }
    %while3A_42 = arith.constant 1 : i32
    %while3A_43:2 = scf.for %while3A_51 = %while3A_39 to %while3A_35 step %while3A_42 iter_args(%while3A_52 = %while3A_41#0, %while3A_53 = %while3A_41#1) -> (vector<512x256xf32>, vector<512x256xf32>)  : i32 {
      %convert_element_type3A_54 = arith.sitofp %while3A_51 : i32 to f32
      %eq3A = vector.broadcast %convert_element_type3A_54 : f32 to vector<512x1xf32>
      %eq3A_55 = arith.cmpf oeq, %broadcast_in_dim3A, %eq3A : vector<512x1xf32>
      %convert_element_type3A_56 = arith.extui %eq3A_55 : vector<512x1xi1> to vector<512x1xi32>
      %convert_element_type3A_57 = arith.sitofp %convert_element_type3A_56 : vector<512x1xi32> to vector<512x1xf32>
      %get3A_58 = arith.index_cast %while3A_51 : i32 to index
      %get3A_59 = arith.constant 0 : index
      %get3A_60 = arith.constant 0 : index
      %get3A_61 = vector.load %arg5[%get3A_58, %get3A_59, %get3A_60] : memref<9x256x256xf32, #tpu.memory_space<vmem>>, vector<1x256x256xf32>
      %get3A_62 = vector.shape_cast %get3A_61 : vector<1x256x256xf32> to vector<256x256xf32>
      %convert_element_type3A_63 = arith.truncf %get3A_62 : vector<256x256xf32> to vector<256x256xbf16>
      %get3A_64 = arith.index_cast %while3A_51 : i32 to index
      %get3A_65 = arith.constant 0 : index
      %get3A_66 = arith.constant 0 : index
      %get3A_67 = vector.load %arg7[%get3A_64, %get3A_65, %get3A_66] : memref<9x256x256xf32, #tpu.memory_space<vmem>>, vector<1x256x256xf32>
      %get3A_68 = vector.shape_cast %get3A_67 : vector<1x256x256xf32> to vector<256x256xf32>
      %convert_element_type3A_69 = arith.truncf %get3A_68 : vector<256x256xf32> to vector<256x256xbf16>
      %dot_general3A = arith.constant dense<0.000000e+00> : vector<512x256xf32>
      %dot_general3A_70 = tpu.matmul %convert_element_type3A_25, %convert_element_type3A_63, %dot_general3A {dimension_numbers = #tpu.dot_dimension_numbers<[1], [1], [0], [0], [0, 0, 1, 0], [], []>, transpose_lhs_hint = false} : vector<512x256xbf16>, vector<256x256xbf16>, vector<512x256xf32> -> vector<512x256xf32>
      %dot_general3A_71 = arith.constant dense<0.000000e+00> : vector<512x256xf32>
      %dot_general3A_72 = tpu.matmul %convert_element_type3A_29, %convert_element_type3A_69, %dot_general3A_71 {dimension_numbers = #tpu.dot_dimension_numbers<[1], [1], [0], [0], [0, 0, 1, 0], [], []>, transpose_lhs_hint = false} : vector<512x256xbf16>, vector<256x256xbf16>, vector<512x256xf32> -> vector<512x256xf32>
      %get3A_73 = arith.index_cast %while3A_51 : i32 to index
      %get3A_74 = arith.constant 0 : index
      %get3A_75 = vector.load %arg6[%get3A_73, %get3A_74] : memref<9x256xf32, #tpu.memory_space<vmem>>, vector<1x256xf32>
      %add3A_76 = vector.broadcast %get3A_75 : vector<1x256xf32> to vector<512x256xf32>
      %add3A_77 = arith.addf %dot_general3A_70, %add3A_76 : vector<512x256xf32>
      %mul3A_78 = vector.broadcast %convert_element_type3A_57 : vector<512x1xf32> to vector<512x256xf32>
      %mul3A_79 = arith.mulf %mul3A_78, %add3A_77 : vector<512x256xf32>
      %add3A_80 = arith.addf %while3A_52, %mul3A_79 : vector<512x256xf32>
      %get3A_81 = arith.index_cast %while3A_51 : i32 to index
      %get3A_82 = arith.constant 0 : index
      %get3A_83 = vector.load %arg8[%get3A_81, %get3A_82] : memref<9x256xf32, #tpu.memory_space<vmem>>, vector<1x256xf32>
      %add3A_84 = vector.broadcast %get3A_83 : vector<1x256xf32> to vector<512x256xf32>
      %add3A_85 = arith.addf %dot_general3A_72, %add3A_84 : vector<512x256xf32>
      %mul3A_86 = vector.broadcast %convert_element_type3A_57 : vector<512x1xf32> to vector<512x256xf32>
      %mul3A_87 = arith.mulf %mul3A_86, %add3A_85 : vector<512x256xf32>
      %add3A_88 = arith.addf %while3A_53, %mul3A_87 : vector<512x256xf32>
      scf.yield %add3A_80, %add3A_88 : vector<512x256xf32>, vector<512x256xf32>
    }
    %convert_element_type3A_44 = arith.truncf %while3A_43#0 : vector<512x256xf32> to vector<512x256xbf16>
    %swap3A = arith.constant 0 : index
    %swap3A_45 = arith.constant 0 : index
    %swap3A_46 = vector.load %arg9[%swap3A, %swap3A_45] : memref<512x256xbf16, #tpu.memory_space<vmem>>, vector<512x256xbf16>
    tpu.vector_store %arg9[%swap3A, %swap3A_45], %convert_element_type3A_44 {strides = array<i32>} : memref<512x256xbf16, #tpu.memory_space<vmem>>, vector<512x256xbf16>,
    %convert_element_type3A_47 = arith.truncf %while3A_43#1 : vector<512x256xf32> to vector<512x256xbf16>
    %swap3A_48 = arith.constant 0 : index
    %swap3A_49 = arith.constant 0 : index
    %swap3A_50 = vector.load %arg10[%swap3A_48, %swap3A_49] : memref<512x256xbf16, #tpu.memory_space<vmem>>, vector<512x256xbf16>
    tpu.vector_store %arg10[%swap3A_48, %swap3A_49], %convert_element_type3A_47 {strides = array<i32>} : memref<512x256xbf16, #tpu.memory_space<vmem>>, vector<512x256xbf16>,
    return
  }
  func.func @transform_0(%arg0: i32, %arg1: memref<16x8xi32, #tpu.memory_space<smem>>) -> (i32, i32) {
    %c0_i32 = arith.constant 0 : i32
    %c0_i32_0 = arith.constant 0 : i32
    return %arg0, %c0_i32 : i32, i32
  }
  func.func @transform_1(%arg0: i32, %arg1: memref<16x8xi32, #tpu.memory_space<smem>>) -> (i32, i32) {
    %c0_i32 = arith.constant 0 : i32
    %c0_i32_0 = arith.constant 0 : i32
    return %arg0, %c0_i32 : i32, i32
  }
  func.func @transform_2(%arg0: i32, %arg1: memref<16x8xi32, #tpu.memory_space<smem>>) -> (i32, i32) {
    %c0_i32 = arith.constant 0 : i32
    %c0_i32_0 = arith.constant 0 : i32
    %c0_i32_1 = arith.constant 0 : i32
    return %c0_i32, %c0_i32_0 : i32, i32
  }
  func.func @transform_3(%arg0: i32, %arg1: memref<16x8xi32, #tpu.memory_space<smem>>) -> (i32, i32, i32) {
    %c0_i32 = arith.constant 0 : i32
    %c0_i32_0 = arith.constant 0 : i32
    %c0_i32_1 = arith.constant 0 : i32
    %c0_i32_2 = arith.constant 0 : i32
    return %c0_i32, %c0_i32_0, %c0_i32_1 : i32, i32, i32
  }
  func.func @transform_4(%arg0: i32, %arg1: memref<16x8xi32, #tpu.memory_space<smem>>) -> (i32, i32) {
    %c0_i32 = arith.constant 0 : i32
    %c0_i32_0 = arith.constant 0 : i32
    %c0_i32_1 = arith.constant 0 : i32
    return %c0_i32, %c0_i32_0 : i32, i32
  }
  func.func @transform_5(%arg0: i32, %arg1: memref<16x8xi32, #tpu.memory_space<smem>>) -> (i32, i32, i32) {
    %c0_i32 = arith.constant 0 : i32
    %c0_i32_0 = arith.constant 0 : i32
    %c0_i32_1 = arith.constant 0 : i32
    %c0_i32_2 = arith.constant 0 : i32
    return %c0_i32, %c0_i32_0, %c0_i32_1 : i32, i32, i32
  }
  func.func @transform_6(%arg0: i32, %arg1: memref<16x8xi32, #tpu.memory_space<smem>>) -> (i32, i32) {
    %c0_i32 = arith.constant 0 : i32
    %c0_i32_0 = arith.constant 0 : i32
    %c0_i32_1 = arith.constant 0 : i32
    return %c0_i32, %c0_i32_0 : i32, i32
  }
  func.func @transform_7(%arg0: i32, %arg1: memref<16x8xi32, #tpu.memory_space<smem>>) -> (i32, i32) {
    %c0_i32 = arith.constant 0 : i32
    %c0_i32_0 = arith.constant 0 : i32
    return %arg0, %c0_i32 : i32, i32
  }
  func.func @transform_8(%arg0: i32, %arg1: memref<16x8xi32, #tpu.memory_space<smem>>) -> (i32, i32) {
    %c0_i32 = arith.constant 0 : i32
    %c0_i32_0 = arith.constant 0 : i32
    return %arg0, %c0_i32 : i32, i32
  }
}

module attributes {stable_mosaic.version = 14 : i64} {
  func.func @_attn_kernel(%arg0: i32, %arg1: memref<16x8xi32, #tpu.memory_space<smem>>, %arg2: memref<512x256xf32, #tpu.memory_space<vmem>>, %arg3: memref<1x16xf32, #tpu.memory_space<vmem>>, %arg4: memref<1x16xf32, #tpu.memory_space<vmem>>, %arg5: memref<1x16xf32, #tpu.memory_space<vmem>>, %arg6: memref<4096x256xbf16, #tpu.memory_space<vmem>>, %arg7: memref<4096x256xbf16, #tpu.memory_space<vmem>>, %arg8: memref<9x256x256xf32, #tpu.memory_space<vmem>>, %arg9: memref<9x256xf32, #tpu.memory_space<vmem>>, %arg10: memref<256x256xf32, #tpu.memory_space<vmem>>, %arg11: memref<1x256xf32, #tpu.memory_space<vmem>>, %arg12: memref<1x256xf32, #tpu.memory_space<vmem>>, %arg13: memref<1x256xf32, #tpu.memory_space<vmem>>, %arg14: memref<512x256xf32, #tpu.memory_space<vmem>>) attributes {dimension_semantics = [#tpu.dimension_semantics<arbitrary>], iteration_bounds = array<i64: 8>, scalar_prefetch = 1 : i64, scratch_operands = 0 : i64, tpu.core_type = #tpu.core_type<tc>, window_params = [{transform_indices = @transform_0, window_bounds = array<i64: 512, 256>}, {pipeline_mode = #tpu.pipeline_mode<synchronous>, transform_indices = @transform_1, window_bounds = array<i64: 1, 16>}, {pipeline_mode = #tpu.pipeline_mode<synchronous>, transform_indices = @transform_2, window_bounds = array<i64: 1, 16>}, {pipeline_mode = #tpu.pipeline_mode<synchronous>, transform_indices = @transform_3, window_bounds = array<i64: 1, 16>}, {pipeline_mode = #tpu.pipeline_mode<synchronous>, transform_indices = @transform_4, window_bounds = array<i64: 4096, 256>}, {pipeline_mode = #tpu.pipeline_mode<synchronous>, transform_indices = @transform_5, window_bounds = array<i64: 4096, 256>}, {pipeline_mode = #tpu.pipeline_mode<synchronous>, transform_indices = @transform_6, window_bounds = array<i64: 9, 256, 256>}, {pipeline_mode = #tpu.pipeline_mode<synchronous>, transform_indices = @transform_7, window_bounds = array<i64: 9, 256>}, {pipeline_mode = #tpu.pipeline_mode<synchronous>, transform_indices = @transform_8, window_bounds = array<i64: 256, 256>}, {pipeline_mode = #tpu.pipeline_mode<synchronous>, transform_indices = @transform_9, window_bounds = array<i64: 1, 256>}, {pipeline_mode = #tpu.pipeline_mode<synchronous>, transform_indices = @transform_10, window_bounds = array<i64: 1, 256>}, {pipeline_mode = #tpu.pipeline_mode<synchronous>, transform_indices = @transform_11, window_bounds = array<i64: 1, 256>}, {transform_indices = @transform_12, window_bounds = array<i64: 512, 256>}]} {
    %get3A = arith.index_cast %arg0 : i32 to index
    %get3A_0 = arith.constant 0 : index
    %get3A_1 = memref.load %arg1[%get3A, %get3A_0] : memref<16x8xi32, #tpu.memory_space<smem>>
    %get3A_2 = arith.index_cast %arg0 : i32 to index
    %get3A_3 = arith.constant 1 : index
    %get3A_4 = memref.load %arg1[%get3A_2, %get3A_3] : memref<16x8xi32, #tpu.memory_space<smem>>
    %get3A_5 = arith.index_cast %arg0 : i32 to index
    %get3A_6 = arith.constant 2 : index
    %get3A_7 = memref.load %arg1[%get3A_5, %get3A_6] : memref<16x8xi32, #tpu.memory_space<smem>>
    %get3A_8 = arith.index_cast %arg0 : i32 to index
    %get3A_9 = arith.constant 3 : index
    %get3A_10 = memref.load %arg1[%get3A_8, %get3A_9] : memref<16x8xi32, #tpu.memory_space<smem>>
    %get3A_11 = arith.constant 0 : index
    %get3A_12 = arith.constant 0 : index
    %get3A_13 = vector.load %arg3[%get3A_11, %get3A_12] : memref<1x16xf32, #tpu.memory_space<vmem>>, vector<1x16xf32>
    %get3A_14 = arith.constant 0 : index
    %get3A_15 = arith.constant 0 : index
    %get3A_16 = vector.load %arg2[%get3A_14, %get3A_15] : memref<512x256xf32, #tpu.memory_space<vmem>>, vector<512x256xf32>
    %iota3A = tpu.iota {dimensions = array<i32: 1>} : vector<1x16xi32>
    %convert_element_type3A = arith.sitofp %iota3A : vector<1x16xi32> to vector<1x16xf32>
    %get3A_17 = arith.constant 0 : index
    %get3A_18 = arith.constant 0 : index
    %get3A_19 = vector.load %arg4[%get3A_17, %get3A_18] : memref<1x16xf32, #tpu.memory_space<vmem>>, vector<1x16xf32>
    %mul3A = arith.constant 512 : i32
    %mul3A_20 = arith.muli %arg0, %mul3A : i32
    %convert_element_type3A_21 = arith.sitofp %mul3A_20 : i32 to f32
    %iota3A_22 = tpu.iota {dimensions = array<i32: 0>} : vector<512x16xi32>
    %convert_element_type3A_23 = arith.sitofp %iota3A_22 : vector<512x16xi32> to vector<512x16xf32>
    %add3A = vector.broadcast %convert_element_type3A_21 : f32 to vector<512x16xf32>
    %add3A_24 = arith.addf %add3A, %convert_element_type3A_23 : vector<512x16xf32>
    %iota3A_25 = tpu.iota {dimensions = array<i32: 1>} : vector<512x16xi32>
    %convert_element_type3A_26 = arith.sitofp %iota3A_25 : vector<512x16xi32> to vector<512x16xf32>
    %ge3A = arith.constant 1.000000e+00 : f32
    %ge3A_27 = vector.broadcast %ge3A : f32 to vector<512x16xf32>
    %ge3A_28 = arith.cmpf oge, %convert_element_type3A_26, %ge3A_27 : vector<512x16xf32>
    %convert_element_type3A_29 = arith.extui %ge3A_28 : vector<512x16xi1> to vector<512x16xi32>
    %convert_element_type3A_30 = arith.sitofp %convert_element_type3A_29 : vector<512x16xi32> to vector<512x16xf32>
    %le3A = vector.broadcast %get3A_19 : vector<1x16xf32> to vector<512x16xf32>
    %le3A_31 = arith.cmpf ole, %le3A, %add3A_24 : vector<512x16xf32>
    %convert_element_type3A_32 = arith.extui %le3A_31 : vector<512x16xi1> to vector<512x16xi32>
    %convert_element_type3A_33 = arith.sitofp %convert_element_type3A_32 : vector<512x16xi32> to vector<512x16xf32>
    %mul3A_34 = arith.mulf %convert_element_type3A_33, %convert_element_type3A_30 : vector<512x16xf32>
    %reduce_sum3A = arith.constant dense<0.000000e+00> : vector<512xf32>
    %reduce_sum3A_35 = vector.multi_reduction <add>, %mul3A_34, %reduce_sum3A [1] : vector<512x16xf32> to vector<512xf32>
    %broadcast_in_dim3A = vector.shape_cast %reduce_sum3A_35 : vector<512xf32> to vector<512x1xf32>
    %eq3A = vector.broadcast %broadcast_in_dim3A : vector<512x1xf32> to vector<512x16xf32>
    %eq3A_36 = vector.broadcast %convert_element_type3A : vector<1x16xf32> to vector<512x16xf32>
    %eq3A_37 = arith.cmpf oeq, %eq3A, %eq3A_36 : vector<512x16xf32>
    %convert_element_type3A_38 = arith.extui %eq3A_37 : vector<512x16xi1> to vector<512x16xi32>
    %convert_element_type3A_39 = arith.sitofp %convert_element_type3A_38 : vector<512x16xi32> to vector<512x16xf32>
    %get3A_40 = arith.constant 0 : index
    %get3A_41 = arith.constant 0 : index
    %get3A_42 = vector.load %arg5[%get3A_40, %get3A_41] : memref<1x16xf32, #tpu.memory_space<vmem>>, vector<1x16xf32>
    %mul3A_43 = vector.broadcast %get3A_42 : vector<1x16xf32> to vector<512x16xf32>
    %mul3A_44 = arith.mulf %convert_element_type3A_39, %mul3A_43 : vector<512x16xf32>
    %reduce_sum3A_45 = arith.constant dense<0.000000e+00> : vector<512xf32>
    %reduce_sum3A_46 = vector.multi_reduction <add>, %mul3A_44, %reduce_sum3A_45 [1] : vector<512x16xf32> to vector<512xf32>
    %broadcast_in_dim3A_47 = vector.shape_cast %reduce_sum3A_46 : vector<512xf32> to vector<512x1xf32>
    %convert_element_type3A_48 = arith.truncf %get3A_16 : vector<512x256xf32> to vector<512x256xbf16>
    %add3A_49 = arith.addi %get3A_7, %get3A_10 : i32
    %broadcast_in_dim3A_50 = arith.constant 0.000000e+00 : f32
    %broadcast_in_dim3A_51 = vector.broadcast %broadcast_in_dim3A_50 : f32 to vector<512x256xf32>
    %while3A = arith.subi %add3A_49, %get3A_7 : i32
    %while3A_52 = arith.addi %get3A_7, %while3A : i32
    %while3A_53 = arith.constant 1 : i32
    %while3A_54 = arith.divsi %while3A, %while3A_53 : i32
    %while3A_55 = arith.muli %while3A_54, %while3A_53 : i32
    %while3A_56 = arith.addi %get3A_7, %while3A_55 : i32
    %while3A_57 = arith.constant 1 : i32
    %while3A_58 = scf.for %while3A_174 = %get3A_7 to %while3A_56 step %while3A_57 iter_args(%while3A_175 = %broadcast_in_dim3A_51) -> (vector<512x256xf32>)  : i32 {
      %convert_element_type3A_176 = arith.sitofp %while3A_174 : i32 to f32
      %eq3A_177 = vector.broadcast %convert_element_type3A_176 : f32 to vector<512x1xf32>
      %eq3A_178 = arith.cmpf oeq, %broadcast_in_dim3A, %eq3A_177 : vector<512x1xf32>
      %convert_element_type3A_179 = arith.extui %eq3A_178 : vector<512x1xi1> to vector<512x1xi32>
      %convert_element_type3A_180 = arith.sitofp %convert_element_type3A_179 : vector<512x1xi32> to vector<512x1xf32>
      %get3A_181 = arith.index_cast %while3A_174 : i32 to index
      %get3A_182 = arith.constant 0 : index
      %get3A_183 = arith.constant 0 : index
      %get3A_184 = vector.load %arg8[%get3A_181, %get3A_182, %get3A_183] : memref<9x256x256xf32, #tpu.memory_space<vmem>>, vector<1x256x256xf32>
      %get3A_185 = vector.shape_cast %get3A_184 : vector<1x256x256xf32> to vector<256x256xf32>
      %convert_element_type3A_186 = arith.truncf %get3A_185 : vector<256x256xf32> to vector<256x256xbf16>
      %dot_general3A_187 = arith.constant dense<0.000000e+00> : vector<512x256xf32>
      %dot_general3A_188 = tpu.matmul %convert_element_type3A_48, %convert_element_type3A_186, %dot_general3A_187 {dimension_numbers = #tpu.dot_dimension_numbers<[1], [1], [0], [0], [0, 0, 1, 0], [], []>, transpose_lhs_hint = false} : vector<512x256xbf16>, vector<256x256xbf16>, vector<512x256xf32> -> vector<512x256xf32>
      %get3A_189 = arith.index_cast %while3A_174 : i32 to index
      %get3A_190 = arith.constant 0 : index
      %get3A_191 = vector.load %arg9[%get3A_189, %get3A_190] : memref<9x256xf32, #tpu.memory_space<vmem>>, vector<1x256xf32>
      %add3A_192 = vector.broadcast %get3A_191 : vector<1x256xf32> to vector<512x256xf32>
      %add3A_193 = arith.addf %dot_general3A_188, %add3A_192 : vector<512x256xf32>
      %mul3A_194 = vector.broadcast %convert_element_type3A_180 : vector<512x1xf32> to vector<512x256xf32>
      %mul3A_195 = arith.mulf %mul3A_194, %add3A_193 : vector<512x256xf32>
      %add3A_196 = arith.addf %while3A_175, %mul3A_195 : vector<512x256xf32>
      scf.yield %add3A_196 : vector<512x256xf32>
    }
    %while3A_59 = arith.constant 1 : i32
    %while3A_60 = scf.for %while3A_174 = %while3A_56 to %while3A_52 step %while3A_59 iter_args(%while3A_175 = %while3A_58) -> (vector<512x256xf32>)  : i32 {
      %convert_element_type3A_176 = arith.sitofp %while3A_174 : i32 to f32
      %eq3A_177 = vector.broadcast %convert_element_type3A_176 : f32 to vector<512x1xf32>
      %eq3A_178 = arith.cmpf oeq, %broadcast_in_dim3A, %eq3A_177 : vector<512x1xf32>
      %convert_element_type3A_179 = arith.extui %eq3A_178 : vector<512x1xi1> to vector<512x1xi32>
      %convert_element_type3A_180 = arith.sitofp %convert_element_type3A_179 : vector<512x1xi32> to vector<512x1xf32>
      %get3A_181 = arith.index_cast %while3A_174 : i32 to index
      %get3A_182 = arith.constant 0 : index
      %get3A_183 = arith.constant 0 : index
      %get3A_184 = vector.load %arg8[%get3A_181, %get3A_182, %get3A_183] : memref<9x256x256xf32, #tpu.memory_space<vmem>>, vector<1x256x256xf32>
      %get3A_185 = vector.shape_cast %get3A_184 : vector<1x256x256xf32> to vector<256x256xf32>
      %convert_element_type3A_186 = arith.truncf %get3A_185 : vector<256x256xf32> to vector<256x256xbf16>
      %dot_general3A_187 = arith.constant dense<0.000000e+00> : vector<512x256xf32>
      %dot_general3A_188 = tpu.matmul %convert_element_type3A_48, %convert_element_type3A_186, %dot_general3A_187 {dimension_numbers = #tpu.dot_dimension_numbers<[1], [1], [0], [0], [0, 0, 1, 0], [], []>, transpose_lhs_hint = false} : vector<512x256xbf16>, vector<256x256xbf16>, vector<512x256xf32> -> vector<512x256xf32>
      %get3A_189 = arith.index_cast %while3A_174 : i32 to index
      %get3A_190 = arith.constant 0 : index
      %get3A_191 = vector.load %arg9[%get3A_189, %get3A_190] : memref<9x256xf32, #tpu.memory_space<vmem>>, vector<1x256xf32>
      %add3A_192 = vector.broadcast %get3A_191 : vector<1x256xf32> to vector<512x256xf32>
      %add3A_193 = arith.addf %dot_general3A_188, %add3A_192 : vector<512x256xf32>
      %mul3A_194 = vector.broadcast %convert_element_type3A_180 : vector<512x1xf32> to vector<512x256xf32>
      %mul3A_195 = arith.mulf %mul3A_194, %add3A_193 : vector<512x256xf32>
      %add3A_196 = arith.addf %while3A_175, %mul3A_195 : vector<512x256xf32>
      scf.yield %add3A_196 : vector<512x256xf32>
    }
    %mul3A_61 = arith.constant 2.500000e-01 : f32
    %mul3A_62 = vector.broadcast %mul3A_61 : f32 to vector<512x256xf32>
    %mul3A_63 = arith.mulf %while3A_60, %mul3A_62 : vector<512x256xf32>
    %convert_element_type3A_64 = arith.truncf %mul3A_63 : vector<512x256xf32> to vector<512x256xbf16>
    %mul3A_65 = arith.constant 5.000000e+01 : f32
    %mul3A_66 = vector.broadcast %mul3A_65 : f32 to vector<512x16xf32>
    %mul3A_67 = arith.mulf %convert_element_type3A_39, %mul3A_66 : vector<512x16xf32>
    %convert_element_type3A_68 = arith.truncf %mul3A_67 : vector<512x16xf32> to vector<512x16xbf16>
    %broadcast_in_dim3A_69 = arith.constant 0.000000e+00 : f32
    %broadcast_in_dim3A_70 = vector.broadcast %broadcast_in_dim3A_69 : f32 to vector<512x1xf32>
    %broadcast_in_dim3A_71 = arith.constant 0.000000e+00 : f32
    %broadcast_in_dim3A_72 = vector.broadcast %broadcast_in_dim3A_71 : f32 to vector<512x64xf32>
    %broadcast_in_dim3A_73 = arith.constant 0.000000e+00 : f32
    %broadcast_in_dim3A_74 = vector.broadcast %broadcast_in_dim3A_73 : f32 to vector<512x1xf32>
    %broadcast_in_dim3A_75 = arith.constant 0.000000e+00 : f32
    %broadcast_in_dim3A_76 = vector.broadcast %broadcast_in_dim3A_75 : f32 to vector<512x64xf32>
    %broadcast_in_dim3A_77 = arith.constant 0.000000e+00 : f32
    %broadcast_in_dim3A_78 = vector.broadcast %broadcast_in_dim3A_77 : f32 to vector<512x1xf32>
    %broadcast_in_dim3A_79 = arith.constant 0.000000e+00 : f32
    %broadcast_in_dim3A_80 = vector.broadcast %broadcast_in_dim3A_79 : f32 to vector<512x64xf32>
    %broadcast_in_dim3A_81 = arith.constant 0.000000e+00 : f32
    %broadcast_in_dim3A_82 = vector.broadcast %broadcast_in_dim3A_81 : f32 to vector<512x1xf32>
    %broadcast_in_dim3A_83 = arith.constant 0.000000e+00 : f32
    %broadcast_in_dim3A_84 = vector.broadcast %broadcast_in_dim3A_83 : f32 to vector<512x64xf32>
    %add3A_85 = arith.addi %get3A_1, %get3A_4 : i32
    %while3A_86 = arith.subi %add3A_85, %get3A_1 : i32
    %while3A_87 = arith.addi %get3A_1, %while3A_86 : i32
    %while3A_88 = arith.constant 1 : i32
    %while3A_89 = arith.divsi %while3A_86, %while3A_88 : i32
    %while3A_90 = arith.muli %while3A_89, %while3A_88 : i32
    %while3A_91 = arith.addi %get3A_1, %while3A_90 : i32
    %while3A_92 = arith.constant 1 : i32
    %while3A_93:8 = scf.for %while3A_174 = %get3A_1 to %while3A_91 step %while3A_92 iter_args(%while3A_175 = %broadcast_in_dim3A_70, %while3A_176 = %broadcast_in_dim3A_72, %while3A_177 = %broadcast_in_dim3A_74, %while3A_178 = %broadcast_in_dim3A_76, %while3A_179 = %broadcast_in_dim3A_78, %while3A_180 = %broadcast_in_dim3A_80, %while3A_181 = %broadcast_in_dim3A_82, %while3A_182 = %broadcast_in_dim3A_84) -> (vector<512x1xf32>, vector<512x64xf32>, vector<512x1xf32>, vector<512x64xf32>, vector<512x1xf32>, vector<512x64xf32>, vector<512x1xf32>, vector<512x64xf32>)  : i32 {
      %mul3A_183 = arith.constant 512 : i32
      %mul3A_184 = arith.muli %while3A_174, %mul3A_183 : i32
      %multiple_of3A = tpu.assume_multiple %mul3A_184, 512 : i32
      %get3A_185 = arith.index_cast %multiple_of3A : i32 to index
      %get3A_186 = arith.constant 0 : index
      %get3A_187 = vector.load %arg6[%get3A_185, %get3A_186] : memref<4096x256xbf16, #tpu.memory_space<vmem>>, vector<512x256xbf16>
      %get3A_188 = arith.index_cast %multiple_of3A : i32 to index
      %get3A_189 = arith.constant 0 : index
      %get3A_190 = vector.load %arg7[%get3A_188, %get3A_189] : memref<4096x256xbf16, #tpu.memory_space<vmem>>, vector<512x256xbf16>
      %mul3A_191 = arith.constant 512 : i32
      %mul3A_192 = arith.muli %while3A_174, %mul3A_191 : i32
      %convert_element_type3A_193 = arith.sitofp %mul3A_192 : i32 to f32
      %iota3A_194 = tpu.iota {dimensions = array<i32: 0>} : vector<512x16xi32>
      %convert_element_type3A_195 = arith.sitofp %iota3A_194 : vector<512x16xi32> to vector<512x16xf32>
      %add3A_196 = vector.broadcast %convert_element_type3A_193 : f32 to vector<512x16xf32>
      %add3A_197 = arith.addf %add3A_196, %convert_element_type3A_195 : vector<512x16xf32>
      %iota3A_198 = tpu.iota {dimensions = array<i32: 1>} : vector<512x16xi32>
      %convert_element_type3A_199 = arith.sitofp %iota3A_198 : vector<512x16xi32> to vector<512x16xf32>
      %ge3A_200 = arith.constant 1.000000e+00 : f32
      %ge3A_201 = vector.broadcast %ge3A_200 : f32 to vector<512x16xf32>
      %ge3A_202 = arith.cmpf oge, %convert_element_type3A_199, %ge3A_201 : vector<512x16xf32>
      %convert_element_type3A_203 = arith.extui %ge3A_202 : vector<512x16xi1> to vector<512x16xi32>
      %convert_element_type3A_204 = arith.sitofp %convert_element_type3A_203 : vector<512x16xi32> to vector<512x16xf32>
      %le3A_205 = vector.broadcast %get3A_13 : vector<1x16xf32> to vector<512x16xf32>
      %le3A_206 = arith.cmpf ole, %le3A_205, %add3A_197 : vector<512x16xf32>
      %convert_element_type3A_207 = arith.extui %le3A_206 : vector<512x16xi1> to vector<512x16xi32>
      %convert_element_type3A_208 = arith.sitofp %convert_element_type3A_207 : vector<512x16xi32> to vector<512x16xf32>
      %mul3A_209 = arith.mulf %convert_element_type3A_208, %convert_element_type3A_204 : vector<512x16xf32>
      %reduce_sum3A_210 = arith.constant dense<0.000000e+00> : vector<512xf32>
      %reduce_sum3A_211 = vector.multi_reduction <add>, %mul3A_209, %reduce_sum3A_210 [1] : vector<512x16xf32> to vector<512xf32>
      %broadcast_in_dim3A_212 = vector.shape_cast %reduce_sum3A_211 : vector<512xf32> to vector<512x1xf32>
      %eq3A_213 = vector.broadcast %broadcast_in_dim3A_212 : vector<512x1xf32> to vector<512x16xf32>
      %eq3A_214 = vector.broadcast %convert_element_type3A : vector<1x16xf32> to vector<512x16xf32>
      %eq3A_215 = arith.cmpf oeq, %eq3A_213, %eq3A_214 : vector<512x16xf32>
      %convert_element_type3A_216 = arith.extui %eq3A_215 : vector<512x16xi1> to vector<512x16xi32>
      %convert_element_type3A_217 = arith.sitofp %convert_element_type3A_216 : vector<512x16xi32> to vector<512x16xf32>
      %convert_element_type3A_218 = arith.truncf %convert_element_type3A_217 : vector<512x16xf32> to vector<512x16xbf16>
      %dot_general3A_219 = arith.constant dense<0.000000e+00> : vector<512x512xf32>
      %dot_general3A_220 = tpu.matmul %convert_element_type3A_68, %convert_element_type3A_218, %dot_general3A_219 {dimension_numbers = #tpu.dot_dimension_numbers<[1], [1], [0], [0], [0, 0, 1, 0], [], []>, transpose_lhs_hint = false} : vector<512x16xbf16>, vector<512x16xbf16>, vector<512x512xf32> -> vector<512x512xf32>
      %slice3A = vector.extract_strided_slice %convert_element_type3A_64 {offsets = [0, 0], sizes = [512, 64], strides = [1, 1]} : vector<512x256xbf16> to vector<512x64xbf16>
      %slice3A_221 = vector.extract_strided_slice %get3A_187 {offsets = [0, 0], sizes = [512, 64], strides = [1, 1]} : vector<512x256xbf16> to vector<512x64xbf16>
      %slice3A_222 = vector.extract_strided_slice %get3A_190 {offsets = [0, 0], sizes = [512, 64], strides = [1, 1]} : vector<512x256xbf16> to vector<512x64xbf16>
      %dot_general3A_223 = arith.constant dense<0.000000e+00> : vector<512x512xf32>
      %dot_general3A_224 = tpu.matmul %slice3A, %slice3A_221, %dot_general3A_223 {dimension_numbers = #tpu.dot_dimension_numbers<[1], [1], [0], [0], [0, 0, 1, 0], [], []>, transpose_lhs_hint = false} : vector<512x64xbf16>, vector<512x64xbf16>, vector<512x512xf32> -> vector<512x512xf32>
      %add3A_225 = arith.addf %dot_general3A_224, %dot_general3A_220 : vector<512x512xf32>
      %exp3A = math.exp %add3A_225 : vector<512x512xf32>
      %reduce_sum3A_226 = arith.constant dense<0.000000e+00> : vector<512xf32>
      %reduce_sum3A_227 = vector.multi_reduction <add>, %exp3A, %reduce_sum3A_226 [1] : vector<512x512xf32> to vector<512xf32>
      %broadcast_in_dim3A_228 = vector.shape_cast %reduce_sum3A_227 : vector<512xf32> to vector<512x1xf32>
      %add3A_229 = arith.addf %while3A_175, %broadcast_in_dim3A_228 : vector<512x1xf32>
      %convert_element_type3A_230 = arith.truncf %exp3A : vector<512x512xf32> to vector<512x512xbf16>
      %dot_general3A_231 = arith.constant dense<0.000000e+00> : vector<512x64xf32>
      %dot_general3A_232 = tpu.matmul %convert_element_type3A_230, %slice3A_222, %dot_general3A_231 {dimension_numbers = #tpu.dot_dimension_numbers<[1], [0], [0], [1], [0, 0, 1, 1], [], []>, transpose_lhs_hint = false} : vector<512x512xbf16>, vector<512x64xbf16>, vector<512x64xf32> -> vector<512x64xf32>
      %add3A_233 = arith.addf %while3A_176, %dot_general3A_232 : vector<512x64xf32>
      %slice3A_234 = vector.extract_strided_slice %convert_element_type3A_64 {offsets = [0, 64], sizes = [512, 64], strides = [1, 1]} : vector<512x256xbf16> to vector<512x64xbf16>
      %slice3A_235 = vector.extract_strided_slice %get3A_187 {offsets = [0, 64], sizes = [512, 64], strides = [1, 1]} : vector<512x256xbf16> to vector<512x64xbf16>
      %slice3A_236 = vector.extract_strided_slice %get3A_190 {offsets = [0, 64], sizes = [512, 64], strides = [1, 1]} : vector<512x256xbf16> to vector<512x64xbf16>
      %dot_general3A_237 = arith.constant dense<0.000000e+00> : vector<512x512xf32>
      %dot_general3A_238 = tpu.matmul %slice3A_234, %slice3A_235, %dot_general3A_237 {dimension_numbers = #tpu.dot_dimension_numbers<[1], [1], [0], [0], [0, 0, 1, 0], [], []>, transpose_lhs_hint = false} : vector<512x64xbf16>, vector<512x64xbf16>, vector<512x512xf32> -> vector<512x512xf32>
      %add3A_239 = arith.addf %dot_general3A_238, %dot_general3A_220 : vector<512x512xf32>
      %exp3A_240 = math.exp %add3A_239 : vector<512x512xf32>
      %reduce_sum3A_241 = arith.constant dense<0.000000e+00> : vector<512xf32>
      %reduce_sum3A_242 = vector.multi_reduction <add>, %exp3A_240, %reduce_sum3A_241 [1] : vector<512x512xf32> to vector<512xf32>
      %broadcast_in_dim3A_243 = vector.shape_cast %reduce_sum3A_242 : vector<512xf32> to vector<512x1xf32>
      %add3A_244 = arith.addf %while3A_177, %broadcast_in_dim3A_243 : vector<512x1xf32>
      %convert_element_type3A_245 = arith.truncf %exp3A_240 : vector<512x512xf32> to vector<512x512xbf16>
      %dot_general3A_246 = arith.constant dense<0.000000e+00> : vector<512x64xf32>
      %dot_general3A_247 = tpu.matmul %convert_element_type3A_245, %slice3A_236, %dot_general3A_246 {dimension_numbers = #tpu.dot_dimension_numbers<[1], [0], [0], [1], [0, 0, 1, 1], [], []>, transpose_lhs_hint = false} : vector<512x512xbf16>, vector<512x64xbf16>, vector<512x64xf32> -> vector<512x64xf32>
      %add3A_248 = arith.addf %while3A_178, %dot_general3A_247 : vector<512x64xf32>
      %slice3A_249 = vector.extract_strided_slice %convert_element_type3A_64 {offsets = [0, 128], sizes = [512, 64], strides = [1, 1]} : vector<512x256xbf16> to vector<512x64xbf16>
      %slice3A_250 = vector.extract_strided_slice %get3A_187 {offsets = [0, 128], sizes = [512, 64], strides = [1, 1]} : vector<512x256xbf16> to vector<512x64xbf16>
      %slice3A_251 = vector.extract_strided_slice %get3A_190 {offsets = [0, 128], sizes = [512, 64], strides = [1, 1]} : vector<512x256xbf16> to vector<512x64xbf16>
      %dot_general3A_252 = arith.constant dense<0.000000e+00> : vector<512x512xf32>
      %dot_general3A_253 = tpu.matmul %slice3A_249, %slice3A_250, %dot_general3A_252 {dimension_numbers = #tpu.dot_dimension_numbers<[1], [1], [0], [0], [0, 0, 1, 0], [], []>, transpose_lhs_hint = false} : vector<512x64xbf16>, vector<512x64xbf16>, vector<512x512xf32> -> vector<512x512xf32>
      %add3A_254 = arith.addf %dot_general3A_253, %dot_general3A_220 : vector<512x512xf32>
      %exp3A_255 = math.exp %add3A_254 : vector<512x512xf32>
      %reduce_sum3A_256 = arith.constant dense<0.000000e+00> : vector<512xf32>
      %reduce_sum3A_257 = vector.multi_reduction <add>, %exp3A_255, %reduce_sum3A_256 [1] : vector<512x512xf32> to vector<512xf32>
      %broadcast_in_dim3A_258 = vector.shape_cast %reduce_sum3A_257 : vector<512xf32> to vector<512x1xf32>
      %add3A_259 = arith.addf %while3A_179, %broadcast_in_dim3A_258 : vector<512x1xf32>
      %convert_element_type3A_260 = arith.truncf %exp3A_255 : vector<512x512xf32> to vector<512x512xbf16>
      %dot_general3A_261 = arith.constant dense<0.000000e+00> : vector<512x64xf32>
      %dot_general3A_262 = tpu.matmul %convert_element_type3A_260, %slice3A_251, %dot_general3A_261 {dimension_numbers = #tpu.dot_dimension_numbers<[1], [0], [0], [1], [0, 0, 1, 1], [], []>, transpose_lhs_hint = false} : vector<512x512xbf16>, vector<512x64xbf16>, vector<512x64xf32> -> vector<512x64xf32>
      %add3A_263 = arith.addf %while3A_180, %dot_general3A_262 : vector<512x64xf32>
      %slice3A_264 = vector.extract_strided_slice %convert_element_type3A_64 {offsets = [0, 192], sizes = [512, 64], strides = [1, 1]} : vector<512x256xbf16> to vector<512x64xbf16>
      %slice3A_265 = vector.extract_strided_slice %get3A_187 {offsets = [0, 192], sizes = [512, 64], strides = [1, 1]} : vector<512x256xbf16> to vector<512x64xbf16>
      %slice3A_266 = vector.extract_strided_slice %get3A_190 {offsets = [0, 192], sizes = [512, 64], strides = [1, 1]} : vector<512x256xbf16> to vector<512x64xbf16>
      %dot_general3A_267 = arith.constant dense<0.000000e+00> : vector<512x512xf32>
      %dot_general3A_268 = tpu.matmul %slice3A_264, %slice3A_265, %dot_general3A_267 {dimension_numbers = #tpu.dot_dimension_numbers<[1], [1], [0], [0], [0, 0, 1, 0], [], []>, transpose_lhs_hint = false} : vector<512x64xbf16>, vector<512x64xbf16>, vector<512x512xf32> -> vector<512x512xf32>
      %add3A_269 = arith.addf %dot_general3A_268, %dot_general3A_220 : vector<512x512xf32>
      %exp3A_270 = math.exp %add3A_269 : vector<512x512xf32>
      %reduce_sum3A_271 = arith.constant dense<0.000000e+00> : vector<512xf32>
      %reduce_sum3A_272 = vector.multi_reduction <add>, %exp3A_270, %reduce_sum3A_271 [1] : vector<512x512xf32> to vector<512xf32>
      %broadcast_in_dim3A_273 = vector.shape_cast %reduce_sum3A_272 : vector<512xf32> to vector<512x1xf32>
      %add3A_274 = arith.addf %while3A_181, %broadcast_in_dim3A_273 : vector<512x1xf32>
      %convert_element_type3A_275 = arith.truncf %exp3A_270 : vector<512x512xf32> to vector<512x512xbf16>
      %dot_general3A_276 = arith.constant dense<0.000000e+00> : vector<512x64xf32>
      %dot_general3A_277 = tpu.matmul %convert_element_type3A_275, %slice3A_266, %dot_general3A_276 {dimension_numbers = #tpu.dot_dimension_numbers<[1], [0], [0], [1], [0, 0, 1, 1], [], []>, transpose_lhs_hint = false} : vector<512x512xbf16>, vector<512x64xbf16>, vector<512x64xf32> -> vector<512x64xf32>
      %add3A_278 = arith.addf %while3A_182, %dot_general3A_277 : vector<512x64xf32>
      scf.yield %add3A_229, %add3A_233, %add3A_244, %add3A_248, %add3A_259, %add3A_263, %add3A_274, %add3A_278 : vector<512x1xf32>, vector<512x64xf32>, vector<512x1xf32>, vector<512x64xf32>, vector<512x1xf32>, vector<512x64xf32>, vector<512x1xf32>, vector<512x64xf32>
    }
    %while3A_94 = arith.constant 1 : i32
    %while3A_95:8 = scf.for %while3A_174 = %while3A_91 to %while3A_87 step %while3A_94 iter_args(%while3A_175 = %while3A_93#0, %while3A_176 = %while3A_93#1, %while3A_177 = %while3A_93#2, %while3A_178 = %while3A_93#3, %while3A_179 = %while3A_93#4, %while3A_180 = %while3A_93#5, %while3A_181 = %while3A_93#6, %while3A_182 = %while3A_93#7) -> (vector<512x1xf32>, vector<512x64xf32>, vector<512x1xf32>, vector<512x64xf32>, vector<512x1xf32>, vector<512x64xf32>, vector<512x1xf32>, vector<512x64xf32>)  : i32 {
      %mul3A_183 = arith.constant 512 : i32
      %mul3A_184 = arith.muli %while3A_174, %mul3A_183 : i32
      %multiple_of3A = tpu.assume_multiple %mul3A_184, 512 : i32
      %get3A_185 = arith.index_cast %multiple_of3A : i32 to index
      %get3A_186 = arith.constant 0 : index
      %get3A_187 = vector.load %arg6[%get3A_185, %get3A_186] : memref<4096x256xbf16, #tpu.memory_space<vmem>>, vector<512x256xbf16>
      %get3A_188 = arith.index_cast %multiple_of3A : i32 to index
      %get3A_189 = arith.constant 0 : index
      %get3A_190 = vector.load %arg7[%get3A_188, %get3A_189] : memref<4096x256xbf16, #tpu.memory_space<vmem>>, vector<512x256xbf16>
      %mul3A_191 = arith.constant 512 : i32
      %mul3A_192 = arith.muli %while3A_174, %mul3A_191 : i32
      %convert_element_type3A_193 = arith.sitofp %mul3A_192 : i32 to f32
      %iota3A_194 = tpu.iota {dimensions = array<i32: 0>} : vector<512x16xi32>
      %convert_element_type3A_195 = arith.sitofp %iota3A_194 : vector<512x16xi32> to vector<512x16xf32>
      %add3A_196 = vector.broadcast %convert_element_type3A_193 : f32 to vector<512x16xf32>
      %add3A_197 = arith.addf %add3A_196, %convert_element_type3A_195 : vector<512x16xf32>
      %iota3A_198 = tpu.iota {dimensions = array<i32: 1>} : vector<512x16xi32>
      %convert_element_type3A_199 = arith.sitofp %iota3A_198 : vector<512x16xi32> to vector<512x16xf32>
      %ge3A_200 = arith.constant 1.000000e+00 : f32
      %ge3A_201 = vector.broadcast %ge3A_200 : f32 to vector<512x16xf32>
      %ge3A_202 = arith.cmpf oge, %convert_element_type3A_199, %ge3A_201 : vector<512x16xf32>
      %convert_element_type3A_203 = arith.extui %ge3A_202 : vector<512x16xi1> to vector<512x16xi32>
      %convert_element_type3A_204 = arith.sitofp %convert_element_type3A_203 : vector<512x16xi32> to vector<512x16xf32>
      %le3A_205 = vector.broadcast %get3A_13 : vector<1x16xf32> to vector<512x16xf32>
      %le3A_206 = arith.cmpf ole, %le3A_205, %add3A_197 : vector<512x16xf32>
      %convert_element_type3A_207 = arith.extui %le3A_206 : vector<512x16xi1> to vector<512x16xi32>
      %convert_element_type3A_208 = arith.sitofp %convert_element_type3A_207 : vector<512x16xi32> to vector<512x16xf32>
      %mul3A_209 = arith.mulf %convert_element_type3A_208, %convert_element_type3A_204 : vector<512x16xf32>
      %reduce_sum3A_210 = arith.constant dense<0.000000e+00> : vector<512xf32>
      %reduce_sum3A_211 = vector.multi_reduction <add>, %mul3A_209, %reduce_sum3A_210 [1] : vector<512x16xf32> to vector<512xf32>
      %broadcast_in_dim3A_212 = vector.shape_cast %reduce_sum3A_211 : vector<512xf32> to vector<512x1xf32>
      %eq3A_213 = vector.broadcast %broadcast_in_dim3A_212 : vector<512x1xf32> to vector<512x16xf32>
      %eq3A_214 = vector.broadcast %convert_element_type3A : vector<1x16xf32> to vector<512x16xf32>
      %eq3A_215 = arith.cmpf oeq, %eq3A_213, %eq3A_214 : vector<512x16xf32>
      %convert_element_type3A_216 = arith.extui %eq3A_215 : vector<512x16xi1> to vector<512x16xi32>
      %convert_element_type3A_217 = arith.sitofp %convert_element_type3A_216 : vector<512x16xi32> to vector<512x16xf32>
      %convert_element_type3A_218 = arith.truncf %convert_element_type3A_217 : vector<512x16xf32> to vector<512x16xbf16>
      %dot_general3A_219 = arith.constant dense<0.000000e+00> : vector<512x512xf32>
      %dot_general3A_220 = tpu.matmul %convert_element_type3A_68, %convert_element_type3A_218, %dot_general3A_219 {dimension_numbers = #tpu.dot_dimension_numbers<[1], [1], [0], [0], [0, 0, 1, 0], [], []>, transpose_lhs_hint = false} : vector<512x16xbf16>, vector<512x16xbf16>, vector<512x512xf32> -> vector<512x512xf32>
      %slice3A = vector.extract_strided_slice %convert_element_type3A_64 {offsets = [0, 0], sizes = [512, 64], strides = [1, 1]} : vector<512x256xbf16> to vector<512x64xbf16>
      %slice3A_221 = vector.extract_strided_slice %get3A_187 {offsets = [0, 0], sizes = [512, 64], strides = [1, 1]} : vector<512x256xbf16> to vector<512x64xbf16>
      %slice3A_222 = vector.extract_strided_slice %get3A_190 {offsets = [0, 0], sizes = [512, 64], strides = [1, 1]} : vector<512x256xbf16> to vector<512x64xbf16>
      %dot_general3A_223 = arith.constant dense<0.000000e+00> : vector<512x512xf32>
      %dot_general3A_224 = tpu.matmul %slice3A, %slice3A_221, %dot_general3A_223 {dimension_numbers = #tpu.dot_dimension_numbers<[1], [1], [0], [0], [0, 0, 1, 0], [], []>, transpose_lhs_hint = false} : vector<512x64xbf16>, vector<512x64xbf16>, vector<512x512xf32> -> vector<512x512xf32>
      %add3A_225 = arith.addf %dot_general3A_224, %dot_general3A_220 : vector<512x512xf32>
      %exp3A = math.exp %add3A_225 : vector<512x512xf32>
      %reduce_sum3A_226 = arith.constant dense<0.000000e+00> : vector<512xf32>
      %reduce_sum3A_227 = vector.multi_reduction <add>, %exp3A, %reduce_sum3A_226 [1] : vector<512x512xf32> to vector<512xf32>
      %broadcast_in_dim3A_228 = vector.shape_cast %reduce_sum3A_227 : vector<512xf32> to vector<512x1xf32>
      %add3A_229 = arith.addf %while3A_175, %broadcast_in_dim3A_228 : vector<512x1xf32>
      %convert_element_type3A_230 = arith.truncf %exp3A : vector<512x512xf32> to vector<512x512xbf16>
      %dot_general3A_231 = arith.constant dense<0.000000e+00> : vector<512x64xf32>
      %dot_general3A_232 = tpu.matmul %convert_element_type3A_230, %slice3A_222, %dot_general3A_231 {dimension_numbers = #tpu.dot_dimension_numbers<[1], [0], [0], [1], [0, 0, 1, 1], [], []>, transpose_lhs_hint = false} : vector<512x512xbf16>, vector<512x64xbf16>, vector<512x64xf32> -> vector<512x64xf32>
      %add3A_233 = arith.addf %while3A_176, %dot_general3A_232 : vector<512x64xf32>
      %slice3A_234 = vector.extract_strided_slice %convert_element_type3A_64 {offsets = [0, 64], sizes = [512, 64], strides = [1, 1]} : vector<512x256xbf16> to vector<512x64xbf16>
      %slice3A_235 = vector.extract_strided_slice %get3A_187 {offsets = [0, 64], sizes = [512, 64], strides = [1, 1]} : vector<512x256xbf16> to vector<512x64xbf16>
      %slice3A_236 = vector.extract_strided_slice %get3A_190 {offsets = [0, 64], sizes = [512, 64], strides = [1, 1]} : vector<512x256xbf16> to vector<512x64xbf16>
      %dot_general3A_237 = arith.constant dense<0.000000e+00> : vector<512x512xf32>
      %dot_general3A_238 = tpu.matmul %slice3A_234, %slice3A_235, %dot_general3A_237 {dimension_numbers = #tpu.dot_dimension_numbers<[1], [1], [0], [0], [0, 0, 1, 0], [], []>, transpose_lhs_hint = false} : vector<512x64xbf16>, vector<512x64xbf16>, vector<512x512xf32> -> vector<512x512xf32>
      %add3A_239 = arith.addf %dot_general3A_238, %dot_general3A_220 : vector<512x512xf32>
      %exp3A_240 = math.exp %add3A_239 : vector<512x512xf32>
      %reduce_sum3A_241 = arith.constant dense<0.000000e+00> : vector<512xf32>
      %reduce_sum3A_242 = vector.multi_reduction <add>, %exp3A_240, %reduce_sum3A_241 [1] : vector<512x512xf32> to vector<512xf32>
      %broadcast_in_dim3A_243 = vector.shape_cast %reduce_sum3A_242 : vector<512xf32> to vector<512x1xf32>
      %add3A_244 = arith.addf %while3A_177, %broadcast_in_dim3A_243 : vector<512x1xf32>
      %convert_element_type3A_245 = arith.truncf %exp3A_240 : vector<512x512xf32> to vector<512x512xbf16>
      %dot_general3A_246 = arith.constant dense<0.000000e+00> : vector<512x64xf32>
      %dot_general3A_247 = tpu.matmul %convert_element_type3A_245, %slice3A_236, %dot_general3A_246 {dimension_numbers = #tpu.dot_dimension_numbers<[1], [0], [0], [1], [0, 0, 1, 1], [], []>, transpose_lhs_hint = false} : vector<512x512xbf16>, vector<512x64xbf16>, vector<512x64xf32> -> vector<512x64xf32>
      %add3A_248 = arith.addf %while3A_178, %dot_general3A_247 : vector<512x64xf32>
      %slice3A_249 = vector.extract_strided_slice %convert_element_type3A_64 {offsets = [0, 128], sizes = [512, 64], strides = [1, 1]} : vector<512x256xbf16> to vector<512x64xbf16>
      %slice3A_250 = vector.extract_strided_slice %get3A_187 {offsets = [0, 128], sizes = [512, 64], strides = [1, 1]} : vector<512x256xbf16> to vector<512x64xbf16>
      %slice3A_251 = vector.extract_strided_slice %get3A_190 {offsets = [0, 128], sizes = [512, 64], strides = [1, 1]} : vector<512x256xbf16> to vector<512x64xbf16>
      %dot_general3A_252 = arith.constant dense<0.000000e+00> : vector<512x512xf32>
      %dot_general3A_253 = tpu.matmul %slice3A_249, %slice3A_250, %dot_general3A_252 {dimension_numbers = #tpu.dot_dimension_numbers<[1], [1], [0], [0], [0, 0, 1, 0], [], []>, transpose_lhs_hint = false} : vector<512x64xbf16>, vector<512x64xbf16>, vector<512x512xf32> -> vector<512x512xf32>
      %add3A_254 = arith.addf %dot_general3A_253, %dot_general3A_220 : vector<512x512xf32>
      %exp3A_255 = math.exp %add3A_254 : vector<512x512xf32>
      %reduce_sum3A_256 = arith.constant dense<0.000000e+00> : vector<512xf32>
      %reduce_sum3A_257 = vector.multi_reduction <add>, %exp3A_255, %reduce_sum3A_256 [1] : vector<512x512xf32> to vector<512xf32>
      %broadcast_in_dim3A_258 = vector.shape_cast %reduce_sum3A_257 : vector<512xf32> to vector<512x1xf32>
      %add3A_259 = arith.addf %while3A_179, %broadcast_in_dim3A_258 : vector<512x1xf32>
      %convert_element_type3A_260 = arith.truncf %exp3A_255 : vector<512x512xf32> to vector<512x512xbf16>
      %dot_general3A_261 = arith.constant dense<0.000000e+00> : vector<512x64xf32>
      %dot_general3A_262 = tpu.matmul %convert_element_type3A_260, %slice3A_251, %dot_general3A_261 {dimension_numbers = #tpu.dot_dimension_numbers<[1], [0], [0], [1], [0, 0, 1, 1], [], []>, transpose_lhs_hint = false} : vector<512x512xbf16>, vector<512x64xbf16>, vector<512x64xf32> -> vector<512x64xf32>
      %add3A_263 = arith.addf %while3A_180, %dot_general3A_262 : vector<512x64xf32>
      %slice3A_264 = vector.extract_strided_slice %convert_element_type3A_64 {offsets = [0, 192], sizes = [512, 64], strides = [1, 1]} : vector<512x256xbf16> to vector<512x64xbf16>
      %slice3A_265 = vector.extract_strided_slice %get3A_187 {offsets = [0, 192], sizes = [512, 64], strides = [1, 1]} : vector<512x256xbf16> to vector<512x64xbf16>
      %slice3A_266 = vector.extract_strided_slice %get3A_190 {offsets = [0, 192], sizes = [512, 64], strides = [1, 1]} : vector<512x256xbf16> to vector<512x64xbf16>
      %dot_general3A_267 = arith.constant dense<0.000000e+00> : vector<512x512xf32>
      %dot_general3A_268 = tpu.matmul %slice3A_264, %slice3A_265, %dot_general3A_267 {dimension_numbers = #tpu.dot_dimension_numbers<[1], [1], [0], [0], [0, 0, 1, 0], [], []>, transpose_lhs_hint = false} : vector<512x64xbf16>, vector<512x64xbf16>, vector<512x512xf32> -> vector<512x512xf32>
      %add3A_269 = arith.addf %dot_general3A_268, %dot_general3A_220 : vector<512x512xf32>
      %exp3A_270 = math.exp %add3A_269 : vector<512x512xf32>
      %reduce_sum3A_271 = arith.constant dense<0.000000e+00> : vector<512xf32>
      %reduce_sum3A_272 = vector.multi_reduction <add>, %exp3A_270, %reduce_sum3A_271 [1] : vector<512x512xf32> to vector<512xf32>
      %broadcast_in_dim3A_273 = vector.shape_cast %reduce_sum3A_272 : vector<512xf32> to vector<512x1xf32>
      %add3A_274 = arith.addf %while3A_181, %broadcast_in_dim3A_273 : vector<512x1xf32>
      %convert_element_type3A_275 = arith.truncf %exp3A_270 : vector<512x512xf32> to vector<512x512xbf16>
      %dot_general3A_276 = arith.constant dense<0.000000e+00> : vector<512x64xf32>
      %dot_general3A_277 = tpu.matmul %convert_element_type3A_275, %slice3A_266, %dot_general3A_276 {dimension_numbers = #tpu.dot_dimension_numbers<[1], [0], [0], [1], [0, 0, 1, 1], [], []>, transpose_lhs_hint = false} : vector<512x512xbf16>, vector<512x64xbf16>, vector<512x64xf32> -> vector<512x64xf32>
      %add3A_278 = arith.addf %while3A_182, %dot_general3A_277 : vector<512x64xf32>
      scf.yield %add3A_229, %add3A_233, %add3A_244, %add3A_248, %add3A_259, %add3A_263, %add3A_274, %add3A_278 : vector<512x1xf32>, vector<512x64xf32>, vector<512x1xf32>, vector<512x64xf32>, vector<512x1xf32>, vector<512x64xf32>, vector<512x1xf32>, vector<512x64xf32>
    }
    %gt3A = arith.constant 0.000000e+00 : f32
    %gt3A_96 = vector.broadcast %gt3A : f32 to vector<512x1xf32>
    %gt3A_97 = arith.cmpf ogt, %while3A_95#0, %gt3A_96 : vector<512x1xf32>
    %jit3A = arith.constant 1.000000e+00 : f32
    %broadcast_in_dim3A_98 = vector.broadcast %jit3A : f32 to vector<512x1xf32>
    %select_n3A = arith.select %gt3A_97, %while3A_95#0, %broadcast_in_dim3A_98 : vector<512x1xi1>, vector<512x1xf32>
    %div3A = vector.broadcast %select_n3A : vector<512x1xf32> to vector<512x64xf32>
    %div3A_99 = arith.divf %while3A_95#1, %div3A : vector<512x64xf32>
    %gt3A_100 = arith.constant 0.000000e+00 : f32
    %gt3A_101 = vector.broadcast %gt3A_100 : f32 to vector<512x1xf32>
    %gt3A_102 = arith.cmpf ogt, %while3A_95#2, %gt3A_101 : vector<512x1xf32>
    %jit3A_103 = arith.constant 1.000000e+00 : f32
    %broadcast_in_dim3A_104 = vector.broadcast %jit3A_103 : f32 to vector<512x1xf32>
    %select_n3A_105 = arith.select %gt3A_102, %while3A_95#2, %broadcast_in_dim3A_104 : vector<512x1xi1>, vector<512x1xf32>
    %div3A_106 = vector.broadcast %select_n3A_105 : vector<512x1xf32> to vector<512x64xf32>
    %div3A_107 = arith.divf %while3A_95#3, %div3A_106 : vector<512x64xf32>
    %gt3A_108 = arith.constant 0.000000e+00 : f32
    %gt3A_109 = vector.broadcast %gt3A_108 : f32 to vector<512x1xf32>
    %gt3A_110 = arith.cmpf ogt, %while3A_95#4, %gt3A_109 : vector<512x1xf32>
    %jit3A_111 = arith.constant 1.000000e+00 : f32
    %broadcast_in_dim3A_112 = vector.broadcast %jit3A_111 : f32 to vector<512x1xf32>
    %select_n3A_113 = arith.select %gt3A_110, %while3A_95#4, %broadcast_in_dim3A_112 : vector<512x1xi1>, vector<512x1xf32>
    %div3A_114 = vector.broadcast %select_n3A_113 : vector<512x1xf32> to vector<512x64xf32>
    %div3A_115 = arith.divf %while3A_95#5, %div3A_114 : vector<512x64xf32>
    %gt3A_116 = arith.constant 0.000000e+00 : f32
    %gt3A_117 = vector.broadcast %gt3A_116 : f32 to vector<512x1xf32>
    %gt3A_118 = arith.cmpf ogt, %while3A_95#6, %gt3A_117 : vector<512x1xf32>
    %jit3A_119 = arith.constant 1.000000e+00 : f32
    %broadcast_in_dim3A_120 = vector.broadcast %jit3A_119 : f32 to vector<512x1xf32>
    %select_n3A_121 = arith.select %gt3A_118, %while3A_95#6, %broadcast_in_dim3A_120 : vector<512x1xi1>, vector<512x1xf32>
    %div3A_122 = vector.broadcast %select_n3A_121 : vector<512x1xf32> to vector<512x64xf32>
    %div3A_123 = arith.divf %while3A_95#7, %div3A_122 : vector<512x64xf32>
    %concatenate3A = tpu.concatenate %div3A_99, %div3A_107, %div3A_115, %div3A_123 in 1 : vector<512x64xf32>, vector<512x64xf32>, vector<512x64xf32>, vector<512x64xf32> -> vector<512x256xf32>
    %convert_element_type3A_124 = arith.truncf %concatenate3A : vector<512x256xf32> to vector<512x256xbf16>
    %get3A_125 = arith.constant 0 : index
    %get3A_126 = arith.constant 0 : index
    %get3A_127 = vector.load %arg10[%get3A_125, %get3A_126] : memref<256x256xf32, #tpu.memory_space<vmem>>, vector<256x256xf32>
    %convert_element_type3A_128 = arith.truncf %get3A_127 : vector<256x256xf32> to vector<256x256xbf16>
    %dot_general3A = arith.constant dense<0.000000e+00> : vector<512x256xf32>
    %dot_general3A_129 = tpu.matmul %convert_element_type3A_124, %convert_element_type3A_128, %dot_general3A {dimension_numbers = #tpu.dot_dimension_numbers<[1], [1], [0], [0], [0, 0, 1, 0], [], []>, transpose_lhs_hint = false} : vector<512x256xbf16>, vector<256x256xbf16>, vector<512x256xf32> -> vector<512x256xf32>
    %get3A_130 = arith.constant 0 : index
    %get3A_131 = arith.constant 0 : index
    %get3A_132 = vector.load %arg11[%get3A_130, %get3A_131] : memref<1x256xf32, #tpu.memory_space<vmem>>, vector<1x256xf32>
    %add3A_133 = vector.broadcast %get3A_132 : vector<1x256xf32> to vector<512x256xf32>
    %add3A_134 = arith.addf %dot_general3A_129, %add3A_133 : vector<512x256xf32>
    %add3A_135 = arith.addf %get3A_16, %add3A_134 : vector<512x256xf32>
    %reduce_sum3A_136 = arith.constant dense<0.000000e+00> : vector<512xf32>
    %reduce_sum3A_137 = vector.multi_reduction <add>, %add3A_135, %reduce_sum3A_136 [1] : vector<512x256xf32> to vector<512xf32>
    %broadcast_in_dim3A_138 = vector.shape_cast %reduce_sum3A_137 : vector<512xf32> to vector<512x1xf32>
    %div3A_139 = arith.constant 2.560000e+02 : f32
    %div3A_140 = vector.broadcast %div3A_139 : f32 to vector<512x1xf32>
    %div3A_141 = arith.divf %broadcast_in_dim3A_138, %div3A_140 : vector<512x1xf32>
    %sub3A = vector.broadcast %div3A_141 : vector<512x1xf32> to vector<512x256xf32>
    %sub3A_142 = arith.subf %add3A_135, %sub3A : vector<512x256xf32>
    %integer_pow3A = arith.mulf %sub3A_142, %sub3A_142 : vector<512x256xf32>
    %reduce_sum3A_143 = arith.constant dense<0.000000e+00> : vector<512xf32>
    %reduce_sum3A_144 = vector.multi_reduction <add>, %integer_pow3A, %reduce_sum3A_143 [1] : vector<512x256xf32> to vector<512xf32>
    %broadcast_in_dim3A_145 = vector.shape_cast %reduce_sum3A_144 : vector<512xf32> to vector<512x1xf32>
    %div3A_146 = arith.constant 2.560000e+02 : f32
    %div3A_147 = vector.broadcast %div3A_146 : f32 to vector<512x1xf32>
    %div3A_148 = arith.divf %broadcast_in_dim3A_145, %div3A_147 : vector<512x1xf32>
    %sub3A_149 = vector.broadcast %div3A_141 : vector<512x1xf32> to vector<512x256xf32>
    %sub3A_150 = arith.subf %add3A_135, %sub3A_149 : vector<512x256xf32>
    %add3A_151 = arith.constant 9.99999974E-6 : f32
    %add3A_152 = vector.broadcast %add3A_151 : f32 to vector<512x1xf32>
    %add3A_153 = arith.addf %div3A_148, %add3A_152 : vector<512x1xf32>
    %rsqrt3A = math.rsqrt %add3A_153 : vector<512x1xf32>
    %mul3A_154 = vector.broadcast %rsqrt3A : vector<512x1xf32> to vector<512x256xf32>
    %mul3A_155 = arith.mulf %sub3A_150, %mul3A_154 : vector<512x256xf32>
    %get3A_156 = arith.constant 0 : index
    %get3A_157 = arith.constant 0 : index
    %get3A_158 = vector.load %arg12[%get3A_156, %get3A_157] : memref<1x256xf32, #tpu.memory_space<vmem>>, vector<1x256xf32>
    %mul3A_159 = vector.broadcast %get3A_158 : vector<1x256xf32> to vector<512x256xf32>
    %mul3A_160 = arith.mulf %mul3A_155, %mul3A_159 : vector<512x256xf32>
    %get3A_161 = arith.constant 0 : index
    %get3A_162 = arith.constant 0 : index
    %get3A_163 = vector.load %arg13[%get3A_161, %get3A_162] : memref<1x256xf32, #tpu.memory_space<vmem>>, vector<1x256xf32>
    %add3A_164 = vector.broadcast %get3A_163 : vector<1x256xf32> to vector<512x256xf32>
    %add3A_165 = arith.addf %mul3A_160, %add3A_164 : vector<512x256xf32>
    %gt3A_166 = arith.constant 5.000000e-01 : f32
    %gt3A_167 = vector.broadcast %gt3A_166 : f32 to vector<512x1xf32>
    %gt3A_168 = arith.cmpf ogt, %broadcast_in_dim3A_47, %gt3A_167 : vector<512x1xf32>
    %broadcast_in_dim3A_169 = vector.shape_cast %gt3A_168 : vector<512x1xi1> to vector<512x1xi1>
    %broadcast_in_dim3A_170 = vector.broadcast %broadcast_in_dim3A_169 : vector<512x1xi1> to vector<512x256xi1>
    %select_n3A_171 = arith.select %broadcast_in_dim3A_170, %add3A_165, %get3A_16 : vector<512x256xi1>, vector<512x256xf32>
    %swap3A = arith.constant 0 : index
    %swap3A_172 = arith.constant 0 : index
    %swap3A_173 = vector.load %arg14[%swap3A, %swap3A_172] : memref<512x256xf32, #tpu.memory_space<vmem>>, vector<512x256xf32>
    tpu.vector_store %arg14[%swap3A, %swap3A_172], %select_n3A_171 {strides = array<i32>} : memref<512x256xf32, #tpu.memory_space<vmem>>, vector<512x256xf32>,
    return
  }
  func.func @transform_0(%arg0: i32, %arg1: memref<16x8xi32, #tpu.memory_space<smem>>) -> (i32, i32) {
    %c0_i32 = arith.constant 0 : i32
    %c0_i32_0 = arith.constant 0 : i32
    return %arg0, %c0_i32 : i32, i32
  }
  func.func @transform_1(%arg0: i32, %arg1: memref<16x8xi32, #tpu.memory_space<smem>>) -> (i32, i32) {
    %c0_i32 = arith.constant 0 : i32
    %c0_i32_0 = arith.constant 0 : i32
    %c0_i32_1 = arith.constant 0 : i32
    return %c0_i32, %c0_i32_0 : i32, i32
  }
  func.func @transform_2(%arg0: i32, %arg1: memref<16x8xi32, #tpu.memory_space<smem>>) -> (i32, i32) {
    %c0_i32 = arith.constant 0 : i32
    %c0_i32_0 = arith.constant 0 : i32
    %c0_i32_1 = arith.constant 0 : i32
    return %c0_i32, %c0_i32_0 : i32, i32
  }
  func.func @transform_3(%arg0: i32, %arg1: memref<16x8xi32, #tpu.memory_space<smem>>) -> (i32, i32) {
    %c0_i32 = arith.constant 0 : i32
    %c0_i32_0 = arith.constant 0 : i32
    %c0_i32_1 = arith.constant 0 : i32
    return %c0_i32, %c0_i32_0 : i32, i32
  }
  func.func @transform_4(%arg0: i32, %arg1: memref<16x8xi32, #tpu.memory_space<smem>>) -> (i32, i32) {
    %c0_i32 = arith.constant 0 : i32
    %c0_i32_0 = arith.constant 0 : i32
    %c0_i32_1 = arith.constant 0 : i32
    return %c0_i32, %c0_i32_0 : i32, i32
  }
  func.func @transform_5(%arg0: i32, %arg1: memref<16x8xi32, #tpu.memory_space<smem>>) -> (i32, i32) {
    %c0_i32 = arith.constant 0 : i32
    %c0_i32_0 = arith.constant 0 : i32
    %c0_i32_1 = arith.constant 0 : i32
    return %c0_i32, %c0_i32_0 : i32, i32
  }
  func.func @transform_6(%arg0: i32, %arg1: memref<16x8xi32, #tpu.memory_space<smem>>) -> (i32, i32, i32) {
    %c0_i32 = arith.constant 0 : i32
    %c0_i32_0 = arith.constant 0 : i32
    %c0_i32_1 = arith.constant 0 : i32
    %c0_i32_2 = arith.constant 0 : i32
    return %c0_i32, %c0_i32_0, %c0_i32_1 : i32, i32, i32
  }
  func.func @transform_7(%arg0: i32, %arg1: memref<16x8xi32, #tpu.memory_space<smem>>) -> (i32, i32) {
    %c0_i32 = arith.constant 0 : i32
    %c0_i32_0 = arith.constant 0 : i32
    %c0_i32_1 = arith.constant 0 : i32
    return %c0_i32, %c0_i32_0 : i32, i32
  }
  func.func @transform_8(%arg0: i32, %arg1: memref<16x8xi32, #tpu.memory_space<smem>>) -> (i32, i32) {
    %c0_i32 = arith.constant 0 : i32
    %c0_i32_0 = arith.constant 0 : i32
    %c0_i32_1 = arith.constant 0 : i32
    return %c0_i32, %c0_i32_0 : i32, i32
  }
  func.func @transform_9(%arg0: i32, %arg1: memref<16x8xi32, #tpu.memory_space<smem>>) -> (i32, i32) {
    %c0_i32 = arith.constant 0 : i32
    %c0_i32_0 = arith.constant 0 : i32
    %c0_i32_1 = arith.constant 0 : i32
    return %c0_i32, %c0_i32_0 : i32, i32
  }
  func.func @transform_10(%arg0: i32, %arg1: memref<16x8xi32, #tpu.memory_space<smem>>) -> (i32, i32) {
    %c0_i32 = arith.constant 0 : i32
    %c0_i32_0 = arith.constant 0 : i32
    %c0_i32_1 = arith.constant 0 : i32
    return %c0_i32, %c0_i32_0 : i32, i32
  }
  func.func @transform_11(%arg0: i32, %arg1: memref<16x8xi32, #tpu.memory_space<smem>>) -> (i32, i32) {
    %c0_i32 = arith.constant 0 : i32
    %c0_i32_0 = arith.constant 0 : i32
    %c0_i32_1 = arith.constant 0 : i32
    return %c0_i32, %c0_i32_0 : i32, i32
  }
  func.func @transform_12(%arg0: i32, %arg1: memref<16x8xi32, #tpu.memory_space<smem>>) -> (i32, i32) {
    %c0_i32 = arith.constant 0 : i32
    %c0_i32_0 = arith.constant 0 : i32
    return %arg0, %c0_i32 : i32, i32
  }
}

</mosaic_0001>

<sc_bundles>
// kernel: kernel.11.cloned.1.call-start
scs
__scs_entry_jumppad:
0x0: {  	(pc) =	sbr.rel $0x88, $3  }
0x1: {  	(tag) =	ssettag $0x0;
	lr =	simm.s32 $0x1  }
0x2: {  	[smem:$0x3F92] =	sst lr;
	_ =	strace $0xD0000000  }
0x3: {  	_ = 	snop  }
0x4: {  	_ = 	snop  }
0x5: {  	_ = 	snop  }
0x6: {  	_ = 	snop  }
0x7: {  	_ = 	snop  }
__scs_overlays_trampoline_lowered:
0x8: {  	[smem:$0x3FA1] =	sst s0  }
0x9: {  	[smem:$0x3FA2] =	sst s1  }
0xa: {  	[smem:$0x3FA3] =	sst s2  }
0xb: {  	[smem:$0x3FA4] =	sst s3  }
0xc: {  	[smem:$0x3FA5] =	sst s4  }
0xd: {  	[smem:$0x3FA6] =	sst s5  }
0xe: {  	[smem:$0x3FA7] =	sst s6  }
0xf: {  	[smem:$0x3FA8] =	sst s7  }
0x10: {  	[smem:$0x3FA9] =	sst s8  }
0x11: {  	[smem:$0x3FAA] =	sst s9;
	s0 =	simm.s32 @!p0 $0x0  }
0x12: {  	s1 =	sld [smem:$0x3F90];
	s0 =	simm.s32 @p0 $0x1  }
0x13: {  	[smem:$0x3FAB] =	sst s0;
	s0 =	simm.s32 @!p1 $0x0  }
0x14: {  	s2 =	sld [smem:$0x3F8F];
	s0 =	simm.s32 @p1 $0x1  }
0x15: {  	[smem:$0x3FAC] =	sst s0;
	s0 =	simm.s32 @!p2 $0x0  }
0x16: {  	s3 =	sld [smem:$0x3FDB];
	s0 =	simm.s32 @p2 $0x1  }
0x17: {  	s4 =	simm.s32 $0x1BF5;
	[smem:$0x3FAE] =	sst s0  }
0x18: {  	s0 =	sld [smem:$0x3F91];
	_ =	swait.ge [sflag:s4], $0x0  }
0x19: {  	s7 =	sld [smem:$0x3F92]  }
0x1a: {  	s8 =	sadd.s32 $0xFFFFE003, lr  }
0x1b: {  	s9 =	sadd.s32 $0xFFFFFEF7, lr;
	s5 =	simm.s32 $0xFFFFFFFF;
	p2 =	slt.u32 s8, $0xFFFFF086  }
0x1c: {  	p1 =	slt.u32 s9, $0xF7A;
	s5 =	simm.s32 @!p2 $0x0  }
0x1d: {  	s5 =	simm.s32 @p1 $0x1;
	p0 =	seq.s32 s7, s2  }
0x1e: {  	s7 =	smul.u32 @!p0 $0xF7A, s2;
	p2 =	seq.s32 @!p0 s5, $0x0  }
0x1f: {  	s9 =	smul.u32 $0xF7A, s1;
	s8 =	simm.s32 @!p0 $0x1BF5;
	p2 =	por !p2, p0  }
0x20: {  	[sflag:s8] =	ssyncset.s32 @!p0 $0xFFFFF086;
	s6 =	sadd.s32 @!p0 s3, s7;
	s7 =	simm.s32 @!p0 $0x108  }
0x21: {  	s3 =	sadd.s32 s3, s9;
	s6 =	sadd.s32 @!p0 $0x88, s6;
	s7 =	simm.s32 @p2 $0x1082  }
0x22: {  	[simem:s7], [sflag:s8] =	dma.local @!p0 [hbm:s6], $0xF7A  }
0x23: {  	s9 =	sor.u32 $0xD0000000, s2;
	s6 =	simm.s32 $0x108;
	_ =	swait.ge @!p0 [sflag:s8], $0x0  }
0x24: {  	s3 =	sadd.s32 $0x88, s3;
	s6 =	simm.s32 @!p1 $0x1082;
	[sflag:s4] =	ssyncset.s32 $0xFFFFF086  }
0x25: {  	[simem:s6], [sflag:s4] =	dma.local [hbm:s3], $0xF7A  }
0x26: {  	[smem:$0x3F92] =	sst s1;
	(tag) =	ssettag s2;
	_ =	strace s9  }
0x27: {  	s1 =	sld [smem:$0x3FA2]  }
0x28: {  	s2 =	sld [smem:$0x3FA3]  }
0x29: {  	s4 =	sld [smem:$0x3FA5]  }
0x2a: {  	p0 =	seq.s32 s5, $0x0;
	s5 =	sld [smem:$0x3FA6]  }
0x2b: {  	s6 =	sld [smem:$0x3FA7]  }
0x2c: {  	s7 =	sld [smem:$0x3FA8]  }
0x2d: {  	s3 =	simm.s32 $0x108;
	s8 =	sld [smem:$0x3FA9]  }
0x2e: {  	s3 =	simm.s32 @!p0 $0x1082;
	s9 =	sld [smem:$0x3FAA]  }
0x2f: {  	lr =	sadd.s32 s0, s3;
	s0 =	sld [smem:$0x3FA1]  }
0x30: {  	s3 =	sld [smem:$0x3FA4]  }
0x31: {  	[smem:$0x3FAD] =	sst s10  }
0x32: {  	s10 =	sld [smem:$0x3FAB];
	_ =	sdelay $0x3  }
0x33: {  	p0 =	seq.s32 s10, $0x1;
	s10 =	sld [smem:$0x3FAD];
	_ =	sdelay $0x3  }
0x34: {  	[smem:$0x3FAD] =	sst s10  }
0x35: {  	s10 =	sld [smem:$0x3FAC];
	_ =	sdelay $0x3  }
0x36: {  	p1 =	seq.s32 s10, $0x1;
	s10 =	sld [smem:$0x3FAD];
	_ =	sdelay $0x3  }
0x37: {  	[smem:$0x3FAD] =	sst s10  }
0x38: {  	s10 =	sld [smem:$0x3FAE]  }
0x39: {  	_ = 	snop;
	(pc) =	sbr.ind lr, $3  }
0x3a: {  	_ = 	snop  }
0x3b: {  	_ = 	snop  }
0x3c: {  	p2 =	seq.s32 s10, $0x1;
	s10 =	sld [smem:$0x3FAD]  }
0x3d: {  	_ =	shalt  }
0x3e: {  	_ =	shalt  }
0x3f: {  	_ =	shalt  }
0x40: {  	_ =	shalt  }
0x41: {  	_ =	shalt  }
0x42: {  	_ =	shalt  }
0x43: {  	_ =	shalt  }
0x44: {  	_ =	shalt  }
0x45: {  	_ =	shalt  }
0x46: {  	_ =	shalt  }
0x47: {  	_ =	shalt  }
0x48: {  	_ =	shalt  }
0x49: {  	_ =	shalt  }
0x4a: {  	_ =	shalt  }
0x4b: {  	_ =	shalt  }
0x4c: {  	_ =	shalt  }
0x4d: {  	_ =	shalt  }
0x4e: {  	_ =	shalt  }
0x4f: {  	_ =	shalt  }
0x50: {  	_ =	shalt  }
0x51: {  	_ =	shalt  }
0x52: {  	_ =	shalt  }
0x53: {  	_ =	shalt  }
0x54: {  	_ =	shalt  }
0x55: {  	_ =	shalt  }
0x56: {  	_ =	shalt  }
0x57: {  	_ =	shalt  }
0x58: {  	_ =	shalt  }
0x59: {  	_ =	shalt  }
0x5a: {  	_ =	shalt  }
0x5b: {  	_ =	shalt  }
0x5c: {  	_ =	shalt  }
0x5d: {  	_ =	shalt  }
0x5e: {  	_ =	shalt  }
0x5f: {  	_ =	shalt  }
0x60: {  	_ =	shalt  }
0x61: {  	_ =	shalt  }
0x62: {  	_ =	shalt  }
0x63: {  	_ =	shalt  }
0x64: {  	_ =	shalt  }
0x65: {  	_ =	shalt  }
0x66: {  	_ =	shalt  }
0x67: {  	_ =	shalt  }
0x68: {  	_ =	shalt  }
0x69: {  	_ =	shalt  }
0x6a: {  	_ =	shalt  }
0x6b: {  	_ =	shalt  }
0x6c: {  	_ =	shalt  }
0x6d: {  	_ =	shalt  }
0x6e: {  	_ =	shalt  }
0x6f: {  	_ =	shalt  }
0x70: {  	_ =	shalt  }
0x71: {  	_ =	shalt  }
0x72: {  	_ =	shalt  }
0x73: {  	_ =	shalt  }
0x74: {  	_ =	shalt  }
0x75: {  	_ =	shalt  }
0x76: {  	_ =	shalt  }
0x77: {  	_ =	shalt  }
0x78: {  	_ =	shalt  }
0x79: {  	_ =	shalt  }
0x7a: {  	_ =	shalt  }
0x7b: {  	_ =	shalt  }
0x7c: {  	_ =	shalt  }
0x7d: {  	_ =	shalt  }
0x7e: {  	_ =	shalt  }
0x7f: {  	_ =	shalt  }
0x80: {  	_ =	shalt  }
0x81: {  	_ =	shalt  }
0x82: {  	_ =	shalt  }
0x83: {  	_ =	shalt  }
0x84: {  	_ =	shalt  }
0x85: {  	_ =	shalt  }
0x86: {  	_ =	shalt  }
0x87: {  	_ =	shalt  }
.Lfunc_end0:
.L_simem_size_0:
called_computation.1_lowered:
.L_overlay_start_0:
0x88: {  	s2 =	sld [smem:$0x3FD9]  }
0x89: {  	s3 =	sld [smem:$0x3FFE];
	_ =	sdelay $0x1  }
0x8a: {  	s1 =	srdreg.scid  }
0x8b: {  	s0 =	sand.u32 $0x1, s1  }
0x8c: {  	s17 =	sshll.u32 s0, $0xA;
	s2 =	sadd.s32 s3, s2  }
0x8d: {  	s2 =	sadd.s32 s2, s17  }
0x8e: {  	[smem:$0x3FB9] =	sst s2  }
0x8f: {  	_ = 	snop  }
0x90: {  	s18 =	sld [smem:$0x3FC7]  }
0x91: {  	s4 =	sld [smem:$0x3FD0];
	(tm) =	ssettm $0x1  }
0x92: {  	s19 =	sld [smem:$0x3FFB];
	_ =	sdelay $0x3  }
0x93: {  	_ =	strace s19  }
0x94: {  	s2 =	sld [smem:$0x3FFC];
	_ =	sdelay $0x3  }
0x95: {  	_ =	strace s2  }
0x96: {  	s2 =	sld [smem:$0x3FFD];
	_ =	sdelay $0x3  }
0x97: {  	_ =	strace s2  }
0x98: {  	_ =	strace $0x8FFFFFFF  }
0x99: {  	s20 =	sld [smem:$0x3FDB];
	_ =	sdelay $0x1  }
0x9a: {  	s5 =	simm.s32 $_scs_section_size  }
0x9b: {  	s6 =	simm.s32 $_size__tile_overlayer_lowered;
	s7 =	simm.s32 $_tile_overlayer_lowered  }
0x9c: {  	s8 =	simm.s32 $0x1BFF;
	s21 =	sshll.u32 s7, $0x1;
	s5 =	sadd.s32 s5, s20  }
0x9d: {  	s22 =	simm.s32 $0x0;
	s6 =	sshll.u32 s6, $0x1;
	s7 =	sadd.s32 s21, s5  }
0x9e: {  	[timem:s22], [sflag:s8] =	dma.local [hbm:s7], s6  }
0x9f: {  	_ =	swait.ge [sflag:s8], s6  }
0xa0: {  	s6 =	ssub.s32 $0x0, s6;
	[sflag:s8] =	ssyncset.done $0x0  }
0xa1: {  	[sflag:s8] =	ssyncadd.s32 s6;
	_ =	sdelay $0x1  }
0xa2: {  	s23 =	simm.s32 $0x1B8B  }
0xa3: {  	_ =	swait.ge [sflag:s23], $0x1  }
0xa4: {  	[sflag:s23] =	ssyncset.done $0x0  }
0xa5: {  	[sflag:s23] =	ssyncadd.s32 $0xFFFFFFFF  }
0xa6: {  	s6 =	sld [smem:$0x0]  }
0xa7: {  	s7 =	sand.u32 $0xFFFFFFFE, s1  }
0xa8: {  	p0 =	sne.s32 s1, s7  }
0xa9: {  	s7 =	sshll.u32 @p0 s7, $0xE  }
0xaa: {  	s7 =	sadd.s32 @p0 $0x11B8D, s7;
	s8 =	sshll.u32 @p0 s6, $0x11  }
0xab: {  	s7 =	sor.u32 @p0 s8, s7  }
0xac: {  	[sflag:s7] =	ssyncadd.remote.s32 @p0 $0x1;
	_ =	sdelay $0x1  }
0xad: {  	s7 =	simm.s32 @p0 $0x1B8D  }
0xae: {  	_ =	swait.eq @p0 [sflag:s7], $0x1  }
0xaf: {  	[sflag:s7] =	ssyncadd.s32 @p0 $0xFFFFFFFF  }
0xb0: {  	s8 =	sshll.u32 @!p0 s1, $0xE  }
0xb1: {  	s8 =	sor.u32 @!p0 $0x4000, s8;
	s7 =	simm.s32 @!p0 $0x1B8D  }
0xb2: {  	s6 =	sshll.u32 @!p0 s6, $0x11;
	s8 =	sadd.s32 @!p0 $0x11B8D, s8;
	_ =	swait.eq @!p0 [sflag:s7], $0x1  }
0xb3: {  	s6 =	sor.u32 @!p0 s6, s8;
	[sflag:s7] =	ssyncadd.s32 @!p0 $0xFFFFFFFF  }
0xb4: {  	s25 =	simm.s32 $0x1B8E;
	s24 =	sld [smem:$0x3FFE];
	[sflag:s6] =	ssyncadd.remote.s32 @!p0 $0x1  }
0xb5: {  	s26 =	simm.s32 $execute0_lowered;
	[smem:$0x3FD2] =	sst s25  }
0xb6: {  	s7 =	sshll.u32 s26, $0x1;
	_ =	strace $0x80000049;
	[dreg:$0x1] =	wrdreg $0xFFFFFFFF  }
0xb7: {  	s28 =	simm.s32 $_size_execute0_lowered;
	s5 =	sadd.s32 s5, s7;
	[dreg:$0x0] =	wrdreg $0x0  }
0xb8: {  	s7 =	sshll.u32 s28, $0x1;
	[dreg:$0x2] =	wrdreg s5  }
0xb9: {  	[dreg:$0x3] =	wrdreg s7  }
0xba: {  	[dreg:$0x4] =	wrdreg $0xC0  }
0xbb: {  	_ =	task [dreg:s22], $0x5FFFF  }
0xbc: {  	[dreg:$0x1] =	wrdreg $0xFFFFFFFF  }
0xbd: {  	[dreg:$0x0] =	wrdreg $0x60  }
0xbe: {  	[dreg:$0x2] =	wrdreg s24  }
0xbf: {  	[dreg:$0x3] =	wrdreg s18  }
0xc0: {  	[dreg:$0x4] =	wrdreg s4  }
0xc1: {  	[dreg:$0x5] =	wrdreg $0xA  }
0xc2: {  	_ =	task.clear_ibuf [dreg:s22], $0x6FFFF;
	_ =	strace $0x90000049  }
0xc3: {  	s29 =	simm.s32 $0xA;
	_ =	strace $0x8000004B  }
0xc4: {  	_ =	swait.ge [sflag:s29], $0x1  }
0xc5: {  	[sflag:s29] =	ssyncadd.s32 $0xFFFFFFFF  }
0xc6: {  	_ =	strace $0x9000004B  }
0xc7: {  	_ =	sfence  }
0xc8: {  	s30 =	sld [smem:$0x0];
	_ =	sdelay $0x2  }
0xc9: {  	s31 =	sshll.u32 s1, $0xD;
	s1 =	sshrl.u32 s1, $0x2  }
0xca: {  	s4 =	sand.u32 $0x4000, s31;
	s1 =	sadd.s32 s1, s30  }
0xcb: {  	s0 =	sor.u32 s4, s0;
	s1 =	sshll.u32 s1, $0x11  }
0xcc: {  	s0 =	sor.u32 s1, s0  }
0xcd: {  	s0 =	sadd.s32 $0x8F2B, s0  }
0xce: {  	[sflag:s0] =	ssyncadd.remote.s32 $0x1  }
0xcf: {  	_ =	sfence.sel $0xFFFF  }
0xd0: {  	[dreg:$0x0] =	wrdreg $0xFFFFFFFF;
	(pc) =	sbr.abs _section_cstart, $3  }
0xd1: {  	[dreg:$0x1] =	wrdreg $0xFFFFFFFF  }
0xd2: {  	_ =	task.clear_ibuf [dreg:s22], $0x2FFFF;
	_ =	strace $0x9FFFFFFF  }
0xd3: {  	(tm) =	ssettm $0x7FFFFFFF  }
tec
execute0_lowered:
.L_overlay_start_1:
0x0: {  	(tag) =	ssettag $0x1  }
0x1: {  	s4 =	rddreg [dreg:$0x0]  }
0x2: {  	s5 =	rddreg [dreg:$0x1]  }
0x3: {  	s1 =	srdreg.scid;
	s0 =	stileid.u32  }
0x4: {  	s2 =	rddreg [dreg:$0x2];
	s3 =	simm.s32 $0x0;
	s9 =	simm.s32 $0x1  }
0x5: {  	s10 =	simm.s32 $0x880;
	s11 =	simm.s32 $0x1080;
	s12 =	simm.s32 $0x1880  }
0x6: {  	s13 =	simm.s32 $0x2080;
	s14 =	simm.s32 $0x2880;
	s15 =	simm.s32 $0x3080  }
0x7: {  	s16 =	simm.s32 $0x3880;
	s17 =	simm.s32 $0x4080;
	s18 =	simm.s32 $0x4880  }
0x8: {  	s19 =	simm.s32 $0x5080;
	s20 =	simm.s32 $0x5880;
	s21 =	simm.s32 $0x6080  }
0x9: {  	s22 =	simm.s32 $0x6880;
	s23 =	simm.s32 $0x7080;
	s24 =	simm.s32 $0x7880  }
0xa: {  	s6 =	sand.u32 $0x1, s1;
	s7 =	sshll.u32 s0, $0x1;
	s1 =	rddreg [dreg:$0x3]  }
0xb: {  	s25 =	simm.s32 $0x2;
	[smem:$0x7FF] =	sst s3;
	s7 =	sor.u32 s6, s7  }
0xc: {  	s6 =	ssub.s32 $0x2, s6;
	_ =	strace $0x8000004A;
	s8 =	sshll.u32 s7, $0x4  }
0xd: {  	v2 =	vlaneseq.u32;
	s31 =	sshrl.u32 s6, $0x1;
	s7 =	sshll.u32 s7, $0xC;
	s4 =	sadd.s32 s8, s4  }
0xe: {  	vm0 =	vmmov $0xffff;
	v1 =	vshrl.u32 v2, $0x3;
	s6 =	ssub.s32 s6, s31;
	s5 =	sadd.s32 s5, s7;
	s7 =	simm.s32 $0x3  }
0xf: {  	v0 =	vand.u32 $0x7, v2;
	v2 =	vor.u32 $0x8, v2;
	v1 =	vmul.u32 $0x8, v1;
	s8 =	simm.s32 $0x80;
	s4 =	sadd.s32 $0x42A00, s4;
	s6 =	smax.u32 s6, $0x1  }
.LBB2_1:
0x10: {  	[tilespmem:s3], [sflag:$0x3] =	stream.linear.gather [hbm4b:s4+s3], $0x80, $0x38;
	[tilespmem:$0x8080] =	vst v63  }
0x11: {  	_ =	swait.ge [sflag:s7], $0x80  }
0x12: {  	[sflag:s7] =	ssyncset.done $0x0  }
0x13: {  	[sflag:s7] =	ssyncadd.s32 $0xFFFFFF80  }
0x14: {  	[tilespmem:s8], [sflag:$0x1] =	stream.linear.gather [hbm4b:s5+s3], $0x8000, $0x38;
	[tilespmem:$0x8080] =	vst v63  }
0x15: {  	_ =	swait.ge [sflag:s9], $0x8000  }
0x16: {  	[sflag:s9] =	ssyncset.done $0x0  }
0x17: {  	[sflag:s9] =	ssyncadd.s32 $0xFFFF8000  }
0x18: {  	v3 =	vld [tilespmem:$0x0];
	_ =	sdelay $0x4  }
0x19: {  	v4 =	vshll.u32 v3, $0x1  }
0x1a: {  	v3 =	vand.u32 $0x7, v3;
	v4 =	vand.u32 $0xFFFFFFF0, v4  }
0x1b: {  	v3 =	vor.u32 v3, v4  }
0x1c: {  	v4 =	vperm.xlane v3, v0;
	_ =	sdelay $0x1  }
0x1d: {  	v3 =	vperm.xlane v3, v2;
	v4 =	vadd.s32 v1, v4;
	_ =	sdelay $0x1  }
0x1e: {  	v3 =	vadd.s32 v1, v3;
	_ =	sdelay $0x2  }
0x1f: {  	[hbm4b:s2+s3] =	stream.indirect_vreg.scatter [tilespmem:s8], [sflag:$0x2], $0x80, v4, vm0, $0xb8;
	[tilespmem:$0x8080] =	vst v63  }
0x20: {  	_ = 	snop  }
0x21: {  	[hbm4b:s2+s3] =	stream.indirect_vreg.scatter [tilespmem:s10], [sflag:$0x2], $0x80, v3, vm0, $0xb8;
	[tilespmem:$0x8080] =	vst v63  }
0x22: {  	v3 =	vld [tilespmem:$0x10];
	_ =	sdelay $0x4  }
0x23: {  	v57 =	vshll.u32 v3, $0x1  }
0x24: {  	v3 =	vand.u32 $0x7, v3;
	v4 =	vand.u32 $0xFFFFFFF0, v57  }
0x25: {  	v3 =	vor.u32 v3, v4  }
0x26: {  	v4 =	vperm.xlane v3, v0;
	_ =	sdelay $0x1  }
0x27: {  	v3 =	vperm.xlane v3, v2;
	v4 =	vadd.s32 v1, v4;
	_ =	sdelay $0x1  }
0x28: {  	v3 =	vadd.s32 v1, v3;
	_ =	sdelay $0x2  }
0x29: {  	[hbm4b:s2+s3] =	stream.indirect_vreg.scatter [tilespmem:s11], [sflag:$0x2], $0x80, v4, vm0, $0xb8;
	[tilespmem:$0x8080] =	vst v63  }
0x2a: {  	_ = 	snop  }
0x2b: {  	[hbm4b:s2+s3] =	stream.indirect_vreg.scatter [tilespmem:s12], [sflag:$0x2], $0x80, v3, vm0, $0xb8;
	[tilespmem:$0x8080] =	vst v63  }
0x2c: {  	v3 =	vld [tilespmem:$0x20];
	_ =	sdelay $0x4  }
0x2d: {  	v58 =	vshll.u32 v3, $0x1  }
0x2e: {  	v3 =	vand.u32 $0x7, v3;
	v4 =	vand.u32 $0xFFFFFFF0, v58  }
0x2f: {  	v3 =	vor.u32 v3, v4  }
0x30: {  	v4 =	vperm.xlane v3, v0;
	_ =	sdelay $0x1  }
0x31: {  	v3 =	vperm.xlane v3, v2;
	v4 =	vadd.s32 v1, v4;
	_ =	sdelay $0x1  }
0x32: {  	v3 =	vadd.s32 v1, v3;
	_ =	sdelay $0x2  }
0x33: {  	[hbm4b:s2+s3] =	stream.indirect_vreg.scatter [tilespmem:s13], [sflag:$0x2], $0x80, v4, vm0, $0xb8;
	[tilespmem:$0x8080] =	vst v63  }
0x34: {  	_ = 	snop  }
0x35: {  	[hbm4b:s2+s3] =	stream.indirect_vreg.scatter [tilespmem:s14], [sflag:$0x2], $0x80, v3, vm0, $0xb8;
	[tilespmem:$0x8080] =	vst v63  }
0x36: {  	v3 =	vld [tilespmem:$0x30];
	_ =	sdelay $0x4  }
0x37: {  	v59 =	vshll.u32 v3, $0x1  }
0x38: {  	v3 =	vand.u32 $0x7, v3;
	v4 =	vand.u32 $0xFFFFFFF0, v59  }
0x39: {  	v3 =	vor.u32 v3, v4  }
0x3a: {  	v4 =	vperm.xlane v3, v0;
	_ =	sdelay $0x1  }
0x3b: {  	v3 =	vperm.xlane v3, v2;
	v4 =	vadd.s32 v1, v4;
	_ =	sdelay $0x1  }
0x3c: {  	v3 =	vadd.s32 v1, v3;
	_ =	sdelay $0x2  }
0x3d: {  	[hbm4b:s2+s3] =	stream.indirect_vreg.scatter [tilespmem:s15], [sflag:$0x2], $0x80, v4, vm0, $0xb8;
	[tilespmem:$0x8080] =	vst v63  }
0x3e: {  	_ = 	snop  }
0x3f: {  	[hbm4b:s2+s3] =	stream.indirect_vreg.scatter [tilespmem:s16], [sflag:$0x2], $0x80, v3, vm0, $0xb8;
	[tilespmem:$0x8080] =	vst v63  }
0x40: {  	v3 =	vld [tilespmem:$0x40];
	_ =	sdelay $0x4  }
0x41: {  	v60 =	vshll.u32 v3, $0x1  }
0x42: {  	v3 =	vand.u32 $0x7, v3;
	v4 =	vand.u32 $0xFFFFFFF0, v60  }
0x43: {  	v3 =	vor.u32 v3, v4  }
0x44: {  	v4 =	vperm.xlane v3, v0;
	_ =	sdelay $0x1  }
0x45: {  	v3 =	vperm.xlane v3, v2;
	v4 =	vadd.s32 v1, v4;
	_ =	sdelay $0x1  }
0x46: {  	v3 =	vadd.s32 v1, v3;
	_ =	sdelay $0x2  }
0x47: {  	[hbm4b:s2+s3] =	stream.indirect_vreg.scatter [tilespmem:s17], [sflag:$0x2], $0x80, v4, vm0, $0xb8;
	[tilespmem:$0x8080] =	vst v63  }
0x48: {  	_ = 	snop  }
0x49: {  	[hbm4b:s2+s3] =	stream.indirect_vreg.scatter [tilespmem:s18], [sflag:$0x2], $0x80, v3, vm0, $0xb8;
	[tilespmem:$0x8080] =	vst v63  }
0x4a: {  	v3 =	vld [tilespmem:$0x50];
	_ =	sdelay $0x4  }
0x4b: {  	v61 =	vshll.u32 v3, $0x1  }
0x4c: {  	v3 =	vand.u32 $0x7, v3;
	v4 =	vand.u32 $0xFFFFFFF0, v61  }
0x4d: {  	v3 =	vor.u32 v3, v4  }
0x4e: {  	v4 =	vperm.xlane v3, v0;
	_ =	sdelay $0x1  }
0x4f: {  	v3 =	vperm.xlane v3, v2;
	v4 =	vadd.s32 v1, v4;
	_ =	sdelay $0x1  }
0x50: {  	v3 =	vadd.s32 v1, v3;
	_ =	sdelay $0x2  }
0x51: {  	[hbm4b:s2+s3] =	stream.indirect_vreg.scatter [tilespmem:s19], [sflag:$0x2], $0x80, v4, vm0, $0xb8;
	[tilespmem:$0x8080] =	vst v63  }
0x52: {  	_ = 	snop  }
0x53: {  	[hbm4b:s2+s3] =	stream.indirect_vreg.scatter [tilespmem:s20], [sflag:$0x2], $0x80, v3, vm0, $0xb8;
	[tilespmem:$0x8080] =	vst v63  }
0x54: {  	v3 =	vld [tilespmem:$0x60];
	_ =	sdelay $0x4  }
0x55: {  	v62 =	vshll.u32 v3, $0x1  }
0x56: {  	v3 =	vand.u32 $0x7, v3;
	v4 =	vand.u32 $0xFFFFFFF0, v62  }
0x57: {  	v3 =	vor.u32 v3, v4  }
0x58: {  	v4 =	vperm.xlane v3, v0;
	_ =	sdelay $0x1  }
0x59: {  	v3 =	vperm.xlane v3, v2;
	v4 =	vadd.s32 v1, v4;
	_ =	sdelay $0x1  }
0x5a: {  	v3 =	vadd.s32 v1, v3;
	_ =	sdelay $0x2  }
0x5b: {  	[hbm4b:s2+s3] =	stream.indirect_vreg.scatter [tilespmem:s21], [sflag:$0x2], $0x80, v4, vm0, $0xb8;
	[tilespmem:$0x8080] =	vst v63  }
0x5c: {  	_ = 	snop  }
0x5d: {  	[hbm4b:s2+s3] =	stream.indirect_vreg.scatter [tilespmem:s22], [sflag:$0x2], $0x80, v3, vm0, $0xb8;
	[tilespmem:$0x8080] =	vst v63  }
0x5e: {  	v3 =	vld [tilespmem:$0x70];
	_ =	sdelay $0x4  }
0x5f: {  	v63 =	vshll.u32 v3, $0x1  }
0x60: {  	v3 =	vand.u32 $0x7, v3;
	v4 =	vand.u32 $0xFFFFFFF0, v63  }
0x61: {  	v3 =	vor.u32 v3, v4  }
0x62: {  	v4 =	vperm.xlane v3, v0;
	_ =	sdelay $0x1  }
0x63: {  	v3 =	vperm.xlane v3, v2;
	v4 =	vadd.s32 v1, v4;
	_ =	sdelay $0x1  }
0x64: {  	v3 =	vadd.s32 v1, v3;
	_ =	sdelay $0x1  }
0x65: {  	p0 =	sne.s32 s6, $0x1  }
0x66: {  	[hbm4b:s2+s3] =	stream.indirect_vreg.scatter [tilespmem:s23], [sflag:$0x2], $0x80, v4, vm0, $0xb8;
	[tilespmem:$0x8080] =	vst v63  }
.Ltmp0:
0x67: {  	_ = 	snop;
	(pc) =	sbr.rel @p0 .LBB2_1-.Ltmp0, $4  }
0x68: {  	[hbm4b:s2+s3] =	stream.indirect_vreg.scatter [tilespmem:s24], [sflag:$0x2], $0x80, v3, vm0, $0xb8;
	[tilespmem:$0x8080] =	vst v63  }
0x69: {  	_ =	swait.ge [sflag:s25], $0x8000  }
0x6a: {  	[sflag:s25] =	ssyncset.done $0x0  }
0x6b: {  	s6 =	sadd.s32 $0xFFFFFFFF, s6;
	[sflag:s25] =	ssyncadd.s32 $0xFFFF8000  }
0x6c: {  	_ =	sfence.sel $0x180000  }
0x6d: {  	[bflag:$0x0] =	sbarrier.arrive $0xFFFF  }
0x6e: {  	p0 =	sne.s32 s0, $0x0;
	_ =	strace $0x9000004A  }
0x6f: {  	s0 =	sadd.s32 @!p0 $0x100000, s1;
	[bflag:$0x2] =	sbarrier.arrive $0xFFFF  }
0x70: {  	[sflag:s0] =	ssyncadd.tile.s32 @!p0 $0x1;
	_ =	shalt  }
.Lfunc_end2:
_tile_overlayer_lowered:
.L_overlay_start_2:
0x71: {  	(tag) =	ssettag $0x2  }
0x72: {  	s0 =	rddreg [dreg:$0x0];
	s2 =	stileid.u32  }
0x73: {  	s1 =	rddreg [dreg:$0x1];
	p0 =	sne.s32 s2, $0x0  }
0x74: {  	s3 =	rddreg [dreg:$0x2];
	[bflag:$0x3] =	sbarrier.arrive $0xFFFF;
	s2 =	simm.s32 @!p0 $0x1C03  }
0x75: {  	[timem:s3], [sflag:s2] =	dma.local @!p0 [hbm:s0], s1  }
0x76: {  	s0 =	simm.s32 @!p0 $0x3  }
0x77: {  	_ =	swait.ge @!p0 [sflag:s0], s1  }
0x78: {  	s1 =	ssub.s32 @!p0 $0x0, s1;
	[sflag:s0] =	ssyncset.done @!p0 $0x0  }
0x79: {  	[sflag:s0] =	ssyncadd.s32 @!p0 s1  }
0x7a: {  	[bflag:$0x3] =	sbarrier.arrive $0xFFFF  }
0x7b: {  	_ =	shalt  }

// kernel: kernel.14.cloned.1.call-start
scs
__scs_entry_jumppad:
0x0: {  	(pc) =	sbr.rel $0x88, $3  }
0x1: {  	(tag) =	ssettag $0x0;
	lr =	simm.s32 $0x1  }
0x2: {  	[smem:$0x3F92] =	sst lr;
	_ =	strace $0xD0000000  }
0x3: {  	_ = 	snop  }
0x4: {  	_ = 	snop  }
0x5: {  	_ = 	snop  }
0x6: {  	_ = 	snop  }
0x7: {  	_ = 	snop  }
__scs_overlays_trampoline_lowered:
0x8: {  	[smem:$0x3FA1] =	sst s0  }
0x9: {  	[smem:$0x3FA2] =	sst s1  }
0xa: {  	[smem:$0x3FA3] =	sst s2  }
0xb: {  	[smem:$0x3FA4] =	sst s3  }
0xc: {  	[smem:$0x3FA5] =	sst s4  }
0xd: {  	[smem:$0x3FA6] =	sst s5  }
0xe: {  	[smem:$0x3FA7] =	sst s6  }
0xf: {  	[smem:$0x3FA8] =	sst s7  }
0x10: {  	[smem:$0x3FA9] =	sst s8  }
0x11: {  	[smem:$0x3FAA] =	sst s9;
	s0 =	simm.s32 @!p0 $0x0  }
0x12: {  	s1 =	sld [smem:$0x3F90];
	s0 =	simm.s32 @p0 $0x1  }
0x13: {  	[smem:$0x3FAB] =	sst s0;
	s0 =	simm.s32 @!p1 $0x0  }
0x14: {  	s2 =	sld [smem:$0x3F8F];
	s0 =	simm.s32 @p1 $0x1  }
0x15: {  	[smem:$0x3FAC] =	sst s0;
	s0 =	simm.s32 @!p2 $0x0  }
0x16: {  	s3 =	sld [smem:$0x3FDB];
	s0 =	simm.s32 @p2 $0x1  }
0x17: {  	s4 =	simm.s32 $0x1BF5;
	[smem:$0x3FAE] =	sst s0  }
0x18: {  	s0 =	sld [smem:$0x3F91];
	_ =	swait.ge [sflag:s4], $0x0  }
0x19: {  	s7 =	sld [smem:$0x3F92]  }
0x1a: {  	s8 =	sadd.s32 $0xFFFFE003, lr  }
0x1b: {  	s9 =	sadd.s32 $0xFFFFFEF7, lr;
	s5 =	simm.s32 $0xFFFFFFFF;
	p2 =	slt.u32 s8, $0xFFFFF086  }
0x1c: {  	p1 =	slt.u32 s9, $0xF7A;
	s5 =	simm.s32 @!p2 $0x0  }
0x1d: {  	s5 =	simm.s32 @p1 $0x1;
	p0 =	seq.s32 s7, s2  }
0x1e: {  	s7 =	smul.u32 @!p0 $0xF7A, s2;
	p2 =	seq.s32 @!p0 s5, $0x0  }
0x1f: {  	s9 =	smul.u32 $0xF7A, s1;
	s8 =	simm.s32 @!p0 $0x1BF5;
	p2 =	por !p2, p0  }
0x20: {  	[sflag:s8] =	ssyncset.s32 @!p0 $0xFFFFF086;
	s6 =	sadd.s32 @!p0 s3, s7;
	s7 =	simm.s32 @!p0 $0x108  }
0x21: {  	s3 =	sadd.s32 s3, s9;
	s6 =	sadd.s32 @!p0 $0x88, s6;
	s7 =	simm.s32 @p2 $0x1082  }
0x22: {  	[simem:s7], [sflag:s8] =	dma.local @!p0 [hbm:s6], $0xF7A  }
0x23: {  	s9 =	sor.u32 $0xD0000000, s2;
	s6 =	simm.s32 $0x108;
	_ =	swait.ge @!p0 [sflag:s8], $0x0  }
0x24: {  	s3 =	sadd.s32 $0x88, s3;
	s6 =	simm.s32 @!p1 $0x1082;
	[sflag:s4] =	ssyncset.s32 $0xFFFFF086  }
0x25: {  	[simem:s6], [sflag:s4] =	dma.local [hbm:s3], $0xF7A  }
0x26: {  	[smem:$0x3F92] =	sst s1;
	(tag) =	ssettag s2;
	_ =	strace s9  }
0x27: {  	s1 =	sld [smem:$0x3FA2]  }
0x28: {  	s2 =	sld [smem:$0x3FA3]  }
0x29: {  	s4 =	sld [smem:$0x3FA5]  }
0x2a: {  	p0 =	seq.s32 s5, $0x0;
	s5 =	sld [smem:$0x3FA6]  }
0x2b: {  	s6 =	sld [smem:$0x3FA7]  }
0x2c: {  	s7 =	sld [smem:$0x3FA8]  }
0x2d: {  	s3 =	simm.s32 $0x108;
	s8 =	sld [smem:$0x3FA9]  }
0x2e: {  	s3 =	simm.s32 @!p0 $0x1082;
	s9 =	sld [smem:$0x3FAA]  }
0x2f: {  	lr =	sadd.s32 s0, s3;
	s0 =	sld [smem:$0x3FA1]  }
0x30: {  	s3 =	sld [smem:$0x3FA4]  }
0x31: {  	[smem:$0x3FAD] =	sst s10  }
0x32: {  	s10 =	sld [smem:$0x3FAB];
	_ =	sdelay $0x3  }
0x33: {  	p0 =	seq.s32 s10, $0x1;
	s10 =	sld [smem:$0x3FAD];
	_ =	sdelay $0x3  }
0x34: {  	[smem:$0x3FAD] =	sst s10  }
0x35: {  	s10 =	sld [smem:$0x3FAC];
	_ =	sdelay $0x3  }
0x36: {  	p1 =	seq.s32 s10, $0x1;
	s10 =	sld [smem:$0x3FAD];
	_ =	sdelay $0x3  }
0x37: {  	[smem:$0x3FAD] =	sst s10  }
0x38: {  	s10 =	sld [smem:$0x3FAE]  }
0x39: {  	_ = 	snop;
	(pc) =	sbr.ind lr, $3  }
0x3a: {  	_ = 	snop  }
0x3b: {  	_ = 	snop  }
0x3c: {  	p2 =	seq.s32 s10, $0x1;
	s10 =	sld [smem:$0x3FAD]  }
0x3d: {  	_ =	shalt  }
0x3e: {  	_ =	shalt  }
0x3f: {  	_ =	shalt  }
0x40: {  	_ =	shalt  }
0x41: {  	_ =	shalt  }
0x42: {  	_ =	shalt  }
0x43: {  	_ =	shalt  }
0x44: {  	_ =	shalt  }
0x45: {  	_ =	shalt  }
0x46: {  	_ =	shalt  }
0x47: {  	_ =	shalt  }
0x48: {  	_ =	shalt  }
0x49: {  	_ =	shalt  }
0x4a: {  	_ =	shalt  }
0x4b: {  	_ =	shalt  }
0x4c: {  	_ =	shalt  }
0x4d: {  	_ =	shalt  }
0x4e: {  	_ =	shalt  }
0x4f: {  	_ =	shalt  }
0x50: {  	_ =	shalt  }
0x51: {  	_ =	shalt  }
0x52: {  	_ =	shalt  }
0x53: {  	_ =	shalt  }
0x54: {  	_ =	shalt  }
0x55: {  	_ =	shalt  }
0x56: {  	_ =	shalt  }
0x57: {  	_ =	shalt  }
0x58: {  	_ =	shalt  }
0x59: {  	_ =	shalt  }
0x5a: {  	_ =	shalt  }
0x5b: {  	_ =	shalt  }
0x5c: {  	_ =	shalt  }
0x5d: {  	_ =	shalt  }
0x5e: {  	_ =	shalt  }
0x5f: {  	_ =	shalt  }
0x60: {  	_ =	shalt  }
0x61: {  	_ =	shalt  }
0x62: {  	_ =	shalt  }
0x63: {  	_ =	shalt  }
0x64: {  	_ =	shalt  }
0x65: {  	_ =	shalt  }
0x66: {  	_ =	shalt  }
0x67: {  	_ =	shalt  }
0x68: {  	_ =	shalt  }
0x69: {  	_ =	shalt  }
0x6a: {  	_ =	shalt  }
0x6b: {  	_ =	shalt  }
0x6c: {  	_ =	shalt  }
0x6d: {  	_ =	shalt  }
0x6e: {  	_ =	shalt  }
0x6f: {  	_ =	shalt  }
0x70: {  	_ =	shalt  }
0x71: {  	_ =	shalt  }
0x72: {  	_ =	shalt  }
0x73: {  	_ =	shalt  }
0x74: {  	_ =	shalt  }
0x75: {  	_ =	shalt  }
0x76: {  	_ =	shalt  }
0x77: {  	_ =	shalt  }
0x78: {  	_ =	shalt  }
0x79: {  	_ =	shalt  }
0x7a: {  	_ =	shalt  }
0x7b: {  	_ =	shalt  }
0x7c: {  	_ =	shalt  }
0x7d: {  	_ =	shalt  }
0x7e: {  	_ =	shalt  }
0x7f: {  	_ =	shalt  }
0x80: {  	_ =	shalt  }
0x81: {  	_ =	shalt  }
0x82: {  	_ =	shalt  }
0x83: {  	_ =	shalt  }
0x84: {  	_ =	shalt  }
0x85: {  	_ =	shalt  }
0x86: {  	_ =	shalt  }
0x87: {  	_ =	shalt  }
.Lfunc_end0:
.L_simem_size_0:
called_computation.2_lowered:
.L_overlay_start_0:
0x88: {  	s2 =	sld [smem:$0x3FD9]  }
0x89: {  	s3 =	sld [smem:$0x3FFE];
	_ =	sdelay $0x1  }
0x8a: {  	s1 =	srdreg.scid  }
0x8b: {  	s0 =	sand.u32 $0x1, s1  }
0x8c: {  	s17 =	sshll.u32 s0, $0xA;
	s2 =	sadd.s32 s3, s2  }
0x8d: {  	s2 =	sadd.s32 s2, s17  }
0x8e: {  	[smem:$0x3FB9] =	sst s2  }
0x8f: {  	_ = 	snop  }
0x90: {  	s2 =	sld [smem:$0x3FD0];
	(tm) =	ssettm $0x1  }
0x91: {  	s18 =	sld [smem:$0x3FFB];
	_ =	sdelay $0x3  }
0x92: {  	_ =	strace s18  }
0x93: {  	s3 =	sld [smem:$0x3FFC];
	_ =	sdelay $0x3  }
0x94: {  	_ =	strace s3  }
0x95: {  	s3 =	sld [smem:$0x3FFD];
	_ =	sdelay $0x3  }
0x96: {  	_ =	strace s3  }
0x97: {  	_ =	strace $0x8FFFFFFF  }
0x98: {  	s19 =	sld [smem:$0x3FDB];
	_ =	sdelay $0x1  }
0x99: {  	s4 =	simm.s32 $_scs_section_size  }
0x9a: {  	s5 =	simm.s32 $_size__tile_overlayer_lowered;
	s6 =	simm.s32 $_tile_overlayer_lowered  }
0x9b: {  	s22 =	simm.s32 $0x1BFF;
	s21 =	sshll.u32 s6, $0x1;
	s3 =	sadd.s32 s4, s19  }
0x9c: {  	s7 =	simm.s32 $0x0;
	s20 =	sshll.u32 s5, $0x1;
	s5 =	sadd.s32 s21, s3  }
0x9d: {  	[timem:s7], [sflag:s22] =	dma.local [hbm:s5], s20  }
0x9e: {  	_ =	swait.ge [sflag:s22], s20  }
0x9f: {  	s4 =	ssub.s32 $0x0, s20;
	[sflag:s22] =	ssyncset.done $0x0  }
0xa0: {  	[sflag:s22] =	ssyncadd.s32 s4;
	_ =	sdelay $0x1  }
0xa1: {  	s23 =	simm.s32 $0x1B8B  }
0xa2: {  	_ =	swait.ge [sflag:s23], $0x1  }
0xa3: {  	[sflag:s23] =	ssyncset.done $0x0  }
0xa4: {  	s25 =	simm.s32 $0x1B8E;
	s24 =	sld [smem:$0x3FFE];
	[sflag:s23] =	ssyncadd.s32 $0xFFFFFFFF  }
0xa5: {  	s26 =	simm.s32 $execute0_lowered;
	[smem:$0x3FD2] =	sst s25  }
0xa6: {  	s5 =	sshll.u32 s26, $0x1;
	_ =	strace $0x8000004C;
	[dreg:$0x1] =	wrdreg $0xFFFFFFFF  }
0xa7: {  	s28 =	simm.s32 $_size_execute0_lowered;
	s3 =	sadd.s32 s3, s5;
	[dreg:$0x0] =	wrdreg $0x0  }
0xa8: {  	s5 =	sshll.u32 s28, $0x1;
	[dreg:$0x2] =	wrdreg s3  }
0xa9: {  	[dreg:$0x3] =	wrdreg s5  }
0xaa: {  	[dreg:$0x4] =	wrdreg $0xC0  }
0xab: {  	_ =	task [dreg:s7], $0x5FFFF  }
0xac: {  	[dreg:$0x1] =	wrdreg $0xFFFFFFFF  }
0xad: {  	[dreg:$0x0] =	wrdreg $0x60  }
0xae: {  	[dreg:$0x2] =	wrdreg s24  }
0xaf: {  	[dreg:$0x3] =	wrdreg s2  }
0xb0: {  	[dreg:$0x4] =	wrdreg $0x9  }
0xb1: {  	_ =	task.clear_ibuf [dreg:s7], $0x5FFFF;
	_ =	strace $0x9000004C  }
0xb2: {  	s29 =	simm.s32 $0x9;
	_ =	strace $0x8000004E  }
0xb3: {  	_ =	swait.ge [sflag:s29], $0x1  }
0xb4: {  	[sflag:s29] =	ssyncadd.s32 $0xFFFFFFFF  }
0xb5: {  	_ =	strace $0x9000004E  }
0xb6: {  	_ =	sfence  }
0xb7: {  	s30 =	sld [smem:$0x0];
	_ =	sdelay $0x2  }
0xb8: {  	s31 =	sshll.u32 s1, $0xD;
	s1 =	sshrl.u32 s1, $0x2  }
0xb9: {  	s3 =	sand.u32 $0x4000, s31;
	s1 =	sadd.s32 s1, s30  }
0xba: {  	s0 =	sor.u32 s3, s0;
	s1 =	sshll.u32 s1, $0x11  }
0xbb: {  	s0 =	sor.u32 s1, s0  }
0xbc: {  	s0 =	sadd.s32 $0x8F2B, s0  }
0xbd: {  	[sflag:s0] =	ssyncadd.remote.s32 $0x1  }
0xbe: {  	_ =	sfence.sel $0xFFFF  }
0xbf: {  	[dreg:$0x0] =	wrdreg $0xFFFFFFFF;
	(pc) =	sbr.abs _section_cstart, $3  }
0xc0: {  	[dreg:$0x1] =	wrdreg $0xFFFFFFFF  }
0xc1: {  	_ =	task.clear_ibuf [dreg:s7], $0x2FFFF;
	_ =	strace $0x9FFFFFFF  }
0xc2: {  	(tm) =	ssettm $0x7FFFFFFF  }
0xc3: {  	_ =	shalt  }
tec
execute0_lowered:
.L_overlay_start_1:
0x0: {  	(tag) =	ssettag $0x1  }
0x1: {  	s3 =	rddreg [dreg:$0x0]  }
0x2: {  	s1 =	srdreg.scid;
	s0 =	stileid.u32  }
0x3: {  	s5 =	rddreg [dreg:$0x1];
	s2 =	simm.s32 $0x0;
	s9 =	simm.s32 $0x880  }
0x4: {  	s10 =	simm.s32 $0x1080;
	s11 =	simm.s32 $0x1880;
	s12 =	simm.s32 $0x2080  }
0x5: {  	s13 =	simm.s32 $0x2880;
	s14 =	simm.s32 $0x3080;
	s15 =	simm.s32 $0x3880  }
0x6: {  	s16 =	simm.s32 $0x4080;
	s17 =	simm.s32 $0x4880;
	s18 =	simm.s32 $0x5080  }
0x7: {  	s19 =	simm.s32 $0x5880;
	s20 =	simm.s32 $0x6080;
	s21 =	simm.s32 $0x6880  }
0x8: {  	s22 =	simm.s32 $0x7080;
	s23 =	simm.s32 $0x7880;
	s24 =	simm.s32 $0x1  }
0x9: {  	s4 =	sand.u32 $0x1, s1;
	s6 =	sshll.u32 s0, $0x1;
	s1 =	rddreg [dreg:$0x2]  }
0xa: {  	[smem:$0x7FF] =	sst s2;
	s6 =	sor.u32 s4, s6;
	s4 =	ssub.s32 $0x2, s4  }
0xb: {  	_ =	strace $0x8000004D;
	s7 =	sshll.u32 s6, $0x4;
	s8 =	sshrl.u32 s4, $0x1  }
0xc: {  	v2 =	vlaneseq.u32;
	s6 =	sshll.u32 s6, $0xC;
	s7 =	sadd.s32 s7, s3;
	s3 =	sadd.s32 $0x2800, s3  }
0xd: {  	vm0 =	vmmov $0xffff;
	v1 =	vshrl.u32 v2, $0x3;
	s8 =	ssub.s32 s4, s8;
	s5 =	sadd.s32 s5, s6;
	s4 =	sadd.s32 $0x42A00, s7  }
0xe: {  	v0 =	vand.u32 $0x7, v2;
	v2 =	vor.u32 $0x8, v2;
	v1 =	vmul.u32 $0x8, v1;
	s6 =	smax.u32 s8, $0x1;
	s7 =	simm.s32 $0x2;
	s8 =	simm.s32 $0x80  }
.LBB2_1:
0xf: {  	[tilespmem:s2], [sflag:$0x2] =	stream.linear.gather [hbm4b:s4+s2], $0x80, $0x38;
	[tilespmem:$0x8080] =	vst v63  }
0x10: {  	_ =	swait.ge [sflag:s7], $0x80  }
0x11: {  	[sflag:s7] =	ssyncset.done $0x0  }
0x12: {  	[sflag:s7] =	ssyncadd.s32 $0xFFFFFF80  }
0x13: {  	v3 =	vld [tilespmem:$0x0];
	_ =	sdelay $0x4  }
0x14: {  	v4 =	vshll.u32 v3, $0x1  }
0x15: {  	v3 =	vand.u32 $0x7, v3;
	v4 =	vand.u32 $0xFFFFFFF0, v4  }
0x16: {  	v3 =	vor.u32 v3, v4  }
0x17: {  	v4 =	vperm.xlane v3, v0;
	_ =	sdelay $0x1  }
0x18: {  	v3 =	vperm.xlane v3, v2;
	v4 =	vadd.s32 v1, v4;
	_ =	sdelay $0x1  }
0x19: {  	v3 =	vadd.s32 v1, v3;
	_ =	sdelay $0x2  }
0x1a: {  	[tilespmem:s8], [sflag:$0x1] =	stream.indirect_vreg.gather [hbm4b:s3+s2], $0x80, v4, vm0, $0xb8;
	[tilespmem:$0x8080] =	vst v63  }
0x1b: {  	_ = 	snop  }
0x1c: {  	[tilespmem:s9], [sflag:$0x1] =	stream.indirect_vreg.gather [hbm4b:s3+s2], $0x80, v3, vm0, $0xb8;
	[tilespmem:$0x8080] =	vst v63  }
0x1d: {  	v3 =	vld [tilespmem:$0x10];
	_ =	sdelay $0x4  }
0x1e: {  	v57 =	vshll.u32 v3, $0x1  }
0x1f: {  	v3 =	vand.u32 $0x7, v3;
	v4 =	vand.u32 $0xFFFFFFF0, v57  }
0x20: {  	v3 =	vor.u32 v3, v4  }
0x21: {  	v4 =	vperm.xlane v3, v0;
	_ =	sdelay $0x1  }
0x22: {  	v3 =	vperm.xlane v3, v2;
	v4 =	vadd.s32 v1, v4;
	_ =	sdelay $0x1  }
0x23: {  	v3 =	vadd.s32 v1, v3;
	_ =	sdelay $0x2  }
0x24: {  	[tilespmem:s10], [sflag:$0x1] =	stream.indirect_vreg.gather [hbm4b:s3+s2], $0x80, v4, vm0, $0xb8;
	[tilespmem:$0x8080] =	vst v63  }
0x25: {  	_ = 	snop  }
0x26: {  	[tilespmem:s11], [sflag:$0x1] =	stream.indirect_vreg.gather [hbm4b:s3+s2], $0x80, v3, vm0, $0xb8;
	[tilespmem:$0x8080] =	vst v63  }
0x27: {  	v3 =	vld [tilespmem:$0x20];
	_ =	sdelay $0x4  }
0x28: {  	v58 =	vshll.u32 v3, $0x1  }
0x29: {  	v3 =	vand.u32 $0x7, v3;
	v4 =	vand.u32 $0xFFFFFFF0, v58  }
0x2a: {  	v3 =	vor.u32 v3, v4  }
0x2b: {  	v4 =	vperm.xlane v3, v0;
	_ =	sdelay $0x1  }
0x2c: {  	v3 =	vperm.xlane v3, v2;
	v4 =	vadd.s32 v1, v4;
	_ =	sdelay $0x1  }
0x2d: {  	v3 =	vadd.s32 v1, v3;
	_ =	sdelay $0x2  }
0x2e: {  	[tilespmem:s12], [sflag:$0x1] =	stream.indirect_vreg.gather [hbm4b:s3+s2], $0x80, v4, vm0, $0xb8;
	[tilespmem:$0x8080] =	vst v63  }
0x2f: {  	_ = 	snop  }
0x30: {  	[tilespmem:s13], [sflag:$0x1] =	stream.indirect_vreg.gather [hbm4b:s3+s2], $0x80, v3, vm0, $0xb8;
	[tilespmem:$0x8080] =	vst v63  }
0x31: {  	v3 =	vld [tilespmem:$0x30];
	_ =	sdelay $0x4  }
0x32: {  	v59 =	vshll.u32 v3, $0x1  }
0x33: {  	v3 =	vand.u32 $0x7, v3;
	v4 =	vand.u32 $0xFFFFFFF0, v59  }
0x34: {  	v3 =	vor.u32 v3, v4  }
0x35: {  	v4 =	vperm.xlane v3, v0;
	_ =	sdelay $0x1  }
0x36: {  	v3 =	vperm.xlane v3, v2;
	v4 =	vadd.s32 v1, v4;
	_ =	sdelay $0x1  }
0x37: {  	v3 =	vadd.s32 v1, v3;
	_ =	sdelay $0x2  }
0x38: {  	[tilespmem:s14], [sflag:$0x1] =	stream.indirect_vreg.gather [hbm4b:s3+s2], $0x80, v4, vm0, $0xb8;
	[tilespmem:$0x8080] =	vst v63  }
0x39: {  	_ = 	snop  }
0x3a: {  	[tilespmem:s15], [sflag:$0x1] =	stream.indirect_vreg.gather [hbm4b:s3+s2], $0x80, v3, vm0, $0xb8;
	[tilespmem:$0x8080] =	vst v63  }
0x3b: {  	v3 =	vld [tilespmem:$0x40];
	_ =	sdelay $0x4  }
0x3c: {  	v60 =	vshll.u32 v3, $0x1  }
0x3d: {  	v3 =	vand.u32 $0x7, v3;
	v4 =	vand.u32 $0xFFFFFFF0, v60  }
0x3e: {  	v3 =	vor.u32 v3, v4  }
0x3f: {  	v4 =	vperm.xlane v3, v0;
	_ =	sdelay $0x1  }
0x40: {  	v3 =	vperm.xlane v3, v2;
	v4 =	vadd.s32 v1, v4;
	_ =	sdelay $0x1  }
0x41: {  	v3 =	vadd.s32 v1, v3;
	_ =	sdelay $0x2  }
0x42: {  	[tilespmem:s16], [sflag:$0x1] =	stream.indirect_vreg.gather [hbm4b:s3+s2], $0x80, v4, vm0, $0xb8;
	[tilespmem:$0x8080] =	vst v63  }
0x43: {  	_ = 	snop  }
0x44: {  	[tilespmem:s17], [sflag:$0x1] =	stream.indirect_vreg.gather [hbm4b:s3+s2], $0x80, v3, vm0, $0xb8;
	[tilespmem:$0x8080] =	vst v63  }
0x45: {  	v3 =	vld [tilespmem:$0x50];
	_ =	sdelay $0x4  }
0x46: {  	v61 =	vshll.u32 v3, $0x1  }
0x47: {  	v3 =	vand.u32 $0x7, v3;
	v4 =	vand.u32 $0xFFFFFFF0, v61  }
0x48: {  	v3 =	vor.u32 v3, v4  }
0x49: {  	v4 =	vperm.xlane v3, v0;
	_ =	sdelay $0x1  }
0x4a: {  	v3 =	vperm.xlane v3, v2;
	v4 =	vadd.s32 v1, v4;
	_ =	sdelay $0x1  }
0x4b: {  	v3 =	vadd.s32 v1, v3;
	_ =	sdelay $0x2  }
0x4c: {  	[tilespmem:s18], [sflag:$0x1] =	stream.indirect_vreg.gather [hbm4b:s3+s2], $0x80, v4, vm0, $0xb8;
	[tilespmem:$0x8080] =	vst v63  }
0x4d: {  	_ = 	snop  }
0x4e: {  	[tilespmem:s19], [sflag:$0x1] =	stream.indirect_vreg.gather [hbm4b:s3+s2], $0x80, v3, vm0, $0xb8;
	[tilespmem:$0x8080] =	vst v63  }
0x4f: {  	v3 =	vld [tilespmem:$0x60];
	_ =	sdelay $0x4  }
0x50: {  	v62 =	vshll.u32 v3, $0x1  }
0x51: {  	v3 =	vand.u32 $0x7, v3;
	v4 =	vand.u32 $0xFFFFFFF0, v62  }
0x52: {  	v3 =	vor.u32 v3, v4  }
0x53: {  	v4 =	vperm.xlane v3, v0;
	_ =	sdelay $0x1  }
0x54: {  	v3 =	vperm.xlane v3, v2;
	v4 =	vadd.s32 v1, v4;
	_ =	sdelay $0x1  }
0x55: {  	v3 =	vadd.s32 v1, v3;
	_ =	sdelay $0x2  }
0x56: {  	[tilespmem:s20], [sflag:$0x1] =	stream.indirect_vreg.gather [hbm4b:s3+s2], $0x80, v4, vm0, $0xb8;
	[tilespmem:$0x8080] =	vst v63  }
0x57: {  	_ = 	snop  }
0x58: {  	[tilespmem:s21], [sflag:$0x1] =	stream.indirect_vreg.gather [hbm4b:s3+s2], $0x80, v3, vm0, $0xb8;
	[tilespmem:$0x8080] =	vst v63  }
0x59: {  	v3 =	vld [tilespmem:$0x70];
	_ =	sdelay $0x4  }
0x5a: {  	v63 =	vshll.u32 v3, $0x1  }
0x5b: {  	v3 =	vand.u32 $0x7, v3;
	v4 =	vand.u32 $0xFFFFFFF0, v63  }
0x5c: {  	v3 =	vor.u32 v3, v4  }
0x5d: {  	v4 =	vperm.xlane v3, v0;
	_ =	sdelay $0x1  }
0x5e: {  	v3 =	vperm.xlane v3, v2;
	v4 =	vadd.s32 v1, v4;
	_ =	sdelay $0x1  }
0x5f: {  	v3 =	vadd.s32 v1, v3;
	_ =	sdelay $0x2  }
0x60: {  	[tilespmem:s22], [sflag:$0x1] =	stream.indirect_vreg.gather [hbm4b:s3+s2], $0x80, v4, vm0, $0xb8;
	[tilespmem:$0x8080] =	vst v63  }
0x61: {  	_ = 	snop  }
0x62: {  	[tilespmem:s23], [sflag:$0x1] =	stream.indirect_vreg.gather [hbm4b:s3+s2], $0x80, v3, vm0, $0xb8;
	[tilespmem:$0x8080] =	vst v63  }
0x63: {  	_ =	swait.ge [sflag:s24], $0x8000  }
0x64: {  	p0 =	sne.s32 s6, $0x1;
	[sflag:s24] =	ssyncset.done $0x0  }
.Ltmp0:
0x65: {  	[sflag:s24] =	ssyncadd.s32 $0xFFFF8000;
	(pc) =	sbr.rel @p0 .LBB2_1-.Ltmp0, $4  }
0x66: {  	[hbm4b:s5+s2] =	stream.linear.scatter [tilespmem:s8], [sflag:$0x2], $0x8000, $0x38;
	[tilespmem:$0x8080] =	vst v63  }
0x67: {  	_ =	swait.ge [sflag:s7], $0x8000  }
0x68: {  	[sflag:s7] =	ssyncset.done $0x0  }
0x69: {  	s6 =	sadd.s32 $0xFFFFFFFF, s6;
	[sflag:s7] =	ssyncadd.s32 $0xFFFF8000  }
0x6a: {  	_ =	sfence.sel $0x180000  }
0x6b: {  	[bflag:$0x0] =	sbarrier.arrive $0xFFFF  }
0x6c: {  	p0 =	sne.s32 s0, $0x0;
	_ =	strace $0x9000004D  }
0x6d: {  	s0 =	sadd.s32 @!p0 $0x100000, s1;
	[bflag:$0x2] =	sbarrier.arrive $0xFFFF  }
0x6e: {  	[sflag:s0] =	ssyncadd.tile.s32 @!p0 $0x1;
	_ =	shalt  }
.Lfunc_end2:
_tile_overlayer_lowered:
.L_overlay_start_2:
0x6f: {  	(tag) =	ssettag $0x2  }
0x70: {  	s0 =	rddreg [dreg:$0x0];
	s2 =	stileid.u32  }
0x71: {  	s1 =	rddreg [dreg:$0x1];
	p0 =	sne.s32 s2, $0x0  }
0x72: {  	s3 =	rddreg [dreg:$0x2];
	[bflag:$0x3] =	sbarrier.arrive $0xFFFF;
	s2 =	simm.s32 @!p0 $0x1C02  }
0x73: {  	[timem:s3], [sflag:s2] =	dma.local @!p0 [hbm:s0], s1  }
0x74: {  	s0 =	simm.s32 @!p0 $0x2  }
0x75: {  	_ =	swait.ge @!p0 [sflag:s0], s1  }
0x76: {  	s1 =	ssub.s32 @!p0 $0x0, s1;
	[sflag:s0] =	ssyncset.done @!p0 $0x0  }
0x77: {  	[sflag:s0] =	ssyncadd.s32 @!p0 s1  }
0x78: {  	[bflag:$0x3] =	sbarrier.arrive $0xFFFF  }
0x79: {  	_ =	shalt  }

// kernel: kernel.8.cloned.1.call-start
scs
__scs_entry_jumppad:
0x0: {  	(pc) =	sbr.rel $0x88, $3  }
0x1: {  	(tag) =	ssettag $0x0;
	lr =	simm.s32 $0x1  }
0x2: {  	[smem:$0x3F92] =	sst lr;
	_ =	strace $0xD0000000  }
0x3: {  	_ = 	snop  }
0x4: {  	_ = 	snop  }
0x5: {  	_ = 	snop  }
0x6: {  	_ = 	snop  }
0x7: {  	_ = 	snop  }
__scs_overlays_trampoline_lowered:
0x8: {  	[smem:$0x3FA1] =	sst s0  }
0x9: {  	[smem:$0x3FA2] =	sst s1  }
0xa: {  	[smem:$0x3FA3] =	sst s2  }
0xb: {  	[smem:$0x3FA4] =	sst s3  }
0xc: {  	[smem:$0x3FA5] =	sst s4  }
0xd: {  	[smem:$0x3FA6] =	sst s5  }
0xe: {  	[smem:$0x3FA7] =	sst s6  }
0xf: {  	[smem:$0x3FA8] =	sst s7  }
0x10: {  	[smem:$0x3FA9] =	sst s8  }
0x11: {  	[smem:$0x3FAA] =	sst s9;
	s0 =	simm.s32 @!p0 $0x0  }
0x12: {  	s1 =	sld [smem:$0x3F90];
	s0 =	simm.s32 @p0 $0x1  }
0x13: {  	[smem:$0x3FAB] =	sst s0;
	s0 =	simm.s32 @!p1 $0x0  }
0x14: {  	s2 =	sld [smem:$0x3F8F];
	s0 =	simm.s32 @p1 $0x1  }
0x15: {  	[smem:$0x3FAC] =	sst s0;
	s0 =	simm.s32 @!p2 $0x0  }
0x16: {  	s3 =	sld [smem:$0x3FDB];
	s0 =	simm.s32 @p2 $0x1  }
0x17: {  	s4 =	simm.s32 $0x1BF5;
	[smem:$0x3FAE] =	sst s0  }
0x18: {  	s0 =	sld [smem:$0x3F91];
	_ =	swait.ge [sflag:s4], $0x0  }
0x19: {  	s7 =	sld [smem:$0x3F92]  }
0x1a: {  	s8 =	sadd.s32 $0xFFFFE003, lr  }
0x1b: {  	s9 =	sadd.s32 $0xFFFFFEF7, lr;
	s5 =	simm.s32 $0xFFFFFFFF;
	p2 =	slt.u32 s8, $0xFFFFF086  }
0x1c: {  	p1 =	slt.u32 s9, $0xF7A;
	s5 =	simm.s32 @!p2 $0x0  }
0x1d: {  	s5 =	simm.s32 @p1 $0x1;
	p0 =	seq.s32 s7, s2  }
0x1e: {  	s7 =	smul.u32 @!p0 $0xF7A, s2;
	p2 =	seq.s32 @!p0 s5, $0x0  }
0x1f: {  	s9 =	smul.u32 $0xF7A, s1;
	s8 =	simm.s32 @!p0 $0x1BF5;
	p2 =	por !p2, p0  }
0x20: {  	[sflag:s8] =	ssyncset.s32 @!p0 $0xFFFFF086;
	s6 =	sadd.s32 @!p0 s3, s7;
	s7 =	simm.s32 @!p0 $0x108  }
0x21: {  	s3 =	sadd.s32 s3, s9;
	s6 =	sadd.s32 @!p0 $0x88, s6;
	s7 =	simm.s32 @p2 $0x1082  }
0x22: {  	[simem:s7], [sflag:s8] =	dma.local @!p0 [hbm:s6], $0xF7A  }
0x23: {  	s9 =	sor.u32 $0xD0000000, s2;
	s6 =	simm.s32 $0x108;
	_ =	swait.ge @!p0 [sflag:s8], $0x0  }
0x24: {  	s3 =	sadd.s32 $0x88, s3;
	s6 =	simm.s32 @!p1 $0x1082;
	[sflag:s4] =	ssyncset.s32 $0xFFFFF086  }
0x25: {  	[simem:s6], [sflag:s4] =	dma.local [hbm:s3], $0xF7A  }
0x26: {  	[smem:$0x3F92] =	sst s1;
	(tag) =	ssettag s2;
	_ =	strace s9  }
0x27: {  	s1 =	sld [smem:$0x3FA2]  }
0x28: {  	s2 =	sld [smem:$0x3FA3]  }
0x29: {  	s4 =	sld [smem:$0x3FA5]  }
0x2a: {  	p0 =	seq.s32 s5, $0x0;
	s5 =	sld [smem:$0x3FA6]  }
0x2b: {  	s6 =	sld [smem:$0x3FA7]  }
0x2c: {  	s7 =	sld [smem:$0x3FA8]  }
0x2d: {  	s3 =	simm.s32 $0x108;
	s8 =	sld [smem:$0x3FA9]  }
0x2e: {  	s3 =	simm.s32 @!p0 $0x1082;
	s9 =	sld [smem:$0x3FAA]  }
0x2f: {  	lr =	sadd.s32 s0, s3;
	s0 =	sld [smem:$0x3FA1]  }
0x30: {  	s3 =	sld [smem:$0x3FA4]  }
0x31: {  	[smem:$0x3FAD] =	sst s10  }
0x32: {  	s10 =	sld [smem:$0x3FAB];
	_ =	sdelay $0x3  }
0x33: {  	p0 =	seq.s32 s10, $0x1;
	s10 =	sld [smem:$0x3FAD];
	_ =	sdelay $0x3  }
0x34: {  	[smem:$0x3FAD] =	sst s10  }
0x35: {  	s10 =	sld [smem:$0x3FAC];
	_ =	sdelay $0x3  }
0x36: {  	p1 =	seq.s32 s10, $0x1;
	s10 =	sld [smem:$0x3FAD];
	_ =	sdelay $0x3  }
0x37: {  	[smem:$0x3FAD] =	sst s10  }
0x38: {  	s10 =	sld [smem:$0x3FAE]  }
0x39: {  	_ = 	snop;
	(pc) =	sbr.ind lr, $3  }
0x3a: {  	_ = 	snop  }
0x3b: {  	_ = 	snop  }
0x3c: {  	p2 =	seq.s32 s10, $0x1;
	s10 =	sld [smem:$0x3FAD]  }
0x3d: {  	_ =	shalt  }
0x3e: {  	_ =	shalt  }
0x3f: {  	_ =	shalt  }
0x40: {  	_ =	shalt  }
0x41: {  	_ =	shalt  }
0x42: {  	_ =	shalt  }
0x43: {  	_ =	shalt  }
0x44: {  	_ =	shalt  }
0x45: {  	_ =	shalt  }
0x46: {  	_ =	shalt  }
0x47: {  	_ =	shalt  }
0x48: {  	_ =	shalt  }
0x49: {  	_ =	shalt  }
0x4a: {  	_ =	shalt  }
0x4b: {  	_ =	shalt  }
0x4c: {  	_ =	shalt  }
0x4d: {  	_ =	shalt  }
0x4e: {  	_ =	shalt  }
0x4f: {  	_ =	shalt  }
0x50: {  	_ =	shalt  }
0x51: {  	_ =	shalt  }
0x52: {  	_ =	shalt  }
0x53: {  	_ =	shalt  }
0x54: {  	_ =	shalt  }
0x55: {  	_ =	shalt  }
0x56: {  	_ =	shalt  }
0x57: {  	_ =	shalt  }
0x58: {  	_ =	shalt  }
0x59: {  	_ =	shalt  }
0x5a: {  	_ =	shalt  }
0x5b: {  	_ =	shalt  }
0x5c: {  	_ =	shalt  }
0x5d: {  	_ =	shalt  }
0x5e: {  	_ =	shalt  }
0x5f: {  	_ =	shalt  }
0x60: {  	_ =	shalt  }
0x61: {  	_ =	shalt  }
0x62: {  	_ =	shalt  }
0x63: {  	_ =	shalt  }
0x64: {  	_ =	shalt  }
0x65: {  	_ =	shalt  }
0x66: {  	_ =	shalt  }
0x67: {  	_ =	shalt  }
0x68: {  	_ =	shalt  }
0x69: {  	_ =	shalt  }
0x6a: {  	_ =	shalt  }
0x6b: {  	_ =	shalt  }
0x6c: {  	_ =	shalt  }
0x6d: {  	_ =	shalt  }
0x6e: {  	_ =	shalt  }
0x6f: {  	_ =	shalt  }
0x70: {  	_ =	shalt  }
0x71: {  	_ =	shalt  }
0x72: {  	_ =	shalt  }
0x73: {  	_ =	shalt  }
0x74: {  	_ =	shalt  }
0x75: {  	_ =	shalt  }
0x76: {  	_ =	shalt  }
0x77: {  	_ =	shalt  }
0x78: {  	_ =	shalt  }
0x79: {  	_ =	shalt  }
0x7a: {  	_ =	shalt  }
0x7b: {  	_ =	shalt  }
0x7c: {  	_ =	shalt  }
0x7d: {  	_ =	shalt  }
0x7e: {  	_ =	shalt  }
0x7f: {  	_ =	shalt  }
0x80: {  	_ =	shalt  }
0x81: {  	_ =	shalt  }
0x82: {  	_ =	shalt  }
0x83: {  	_ =	shalt  }
0x84: {  	_ =	shalt  }
0x85: {  	_ =	shalt  }
0x86: {  	_ =	shalt  }
0x87: {  	_ =	shalt  }
.Lfunc_end0:
.L_simem_size_0:
called_computation_lowered:
.L_overlay_start_0:
0x88: {  	s2 =	sld [smem:$0x3FD9]  }
0x89: {  	s3 =	sld [smem:$0x3FFE];
	_ =	sdelay $0x1  }
0x8a: {  	s1 =	srdreg.scid  }
0x8b: {  	s0 =	sand.u32 $0x1, s1  }
0x8c: {  	s17 =	sshll.u32 s0, $0xA;
	s2 =	sadd.s32 s3, s2  }
0x8d: {  	s2 =	sadd.s32 s2, s17  }
0x8e: {  	[smem:$0x3FB9] =	sst s2  }
0x8f: {  	_ = 	snop  }
0x90: {  	s2 =	sld [smem:$0x3FC9]  }
0x91: {  	s18 =	sld [smem:$0x3FC8];
	(tm) =	ssettm $0x1  }
0x92: {  	s4 =	sld [smem:$0x3FFB];
	_ =	sdelay $0x3  }
0x93: {  	_ =	strace s4  }
0x94: {  	s4 =	sld [smem:$0x3FFC];
	_ =	sdelay $0x3  }
0x95: {  	_ =	strace s4  }
0x96: {  	s4 =	sld [smem:$0x3FFD];
	_ =	sdelay $0x3  }
0x97: {  	_ =	strace s4  }
0x98: {  	_ =	strace $0x8FFFFFFF  }
0x99: {  	s19 =	sld [smem:$0x3FDB];
	_ =	sdelay $0x1  }
0x9a: {  	s5 =	simm.s32 $_scs_section_size  }
0x9b: {  	s6 =	simm.s32 $_size__tile_overlayer_lowered;
	s7 =	simm.s32 $_tile_overlayer_lowered  }
0x9c: {  	s22 =	simm.s32 $0x1BFF;
	s21 =	sshll.u32 s7, $0x1;
	s4 =	sadd.s32 s5, s19  }
0x9d: {  	s8 =	simm.s32 $0x0;
	s20 =	sshll.u32 s6, $0x1;
	s6 =	sadd.s32 s21, s4  }
0x9e: {  	[timem:s8], [sflag:s22] =	dma.local [hbm:s6], s20  }
0x9f: {  	_ =	swait.ge [sflag:s22], s20  }
0xa0: {  	s5 =	ssub.s32 $0x0, s20;
	[sflag:s22] =	ssyncset.done $0x0  }
0xa1: {  	[sflag:s22] =	ssyncadd.s32 s5;
	_ =	sdelay $0x1  }
0xa2: {  	s23 =	simm.s32 $0x1B8B  }
0xa3: {  	_ =	swait.ge [sflag:s23], $0x1  }
0xa4: {  	[sflag:s23] =	ssyncset.done $0x0  }
0xa5: {  	s25 =	simm.s32 $0x1B8E;
	s24 =	sld [smem:$0x3FFE];
	[sflag:s23] =	ssyncadd.s32 $0xFFFFFFFF  }
0xa6: {  	s26 =	simm.s32 $execute0_lowered;
	[smem:$0x3FD2] =	sst s25  }
0xa7: {  	s6 =	sshll.u32 s26, $0x1;
	_ =	strace $0x80000046;
	[dreg:$0x1] =	wrdreg $0xFFFFFFFF  }
0xa8: {  	s28 =	simm.s32 $_size_execute0_lowered;
	s4 =	sadd.s32 s4, s6;
	[dreg:$0x0] =	wrdreg $0x0  }
0xa9: {  	s6 =	sshll.u32 s28, $0x1;
	[dreg:$0x2] =	wrdreg s4  }
0xaa: {  	[dreg:$0x3] =	wrdreg s6  }
0xab: {  	[dreg:$0x4] =	wrdreg $0xC0  }
0xac: {  	_ =	task [dreg:s8], $0x5FFFF  }
0xad: {  	[dreg:$0x1] =	wrdreg $0xFFFFFFFF  }
0xae: {  	[dreg:$0x0] =	wrdreg $0x60  }
0xaf: {  	[dreg:$0x2] =	wrdreg s24  }
0xb0: {  	[dreg:$0x3] =	wrdreg s2  }
0xb1: {  	[dreg:$0x4] =	wrdreg s18  }
0xb2: {  	[dreg:$0x5] =	wrdreg $0x9  }
0xb3: {  	_ =	task.clear_ibuf [dreg:s8], $0x6FFFF;
	_ =	strace $0x90000046  }
0xb4: {  	s29 =	simm.s32 $0x9;
	_ =	strace $0x80000048  }
0xb5: {  	_ =	swait.ge [sflag:s29], $0x1  }
0xb6: {  	[sflag:s29] =	ssyncadd.s32 $0xFFFFFFFF  }
0xb7: {  	_ =	strace $0x90000048  }
0xb8: {  	_ =	sfence  }
0xb9: {  	s30 =	sld [smem:$0x0];
	_ =	sdelay $0x2  }
0xba: {  	s31 =	sshll.u32 s1, $0xD;
	s1 =	sshrl.u32 s1, $0x2  }
0xbb: {  	s3 =	sand.u32 $0x4000, s31;
	s1 =	sadd.s32 s1, s30  }
0xbc: {  	s0 =	sor.u32 s3, s0;
	s1 =	sshll.u32 s1, $0x11  }
0xbd: {  	s0 =	sor.u32 s1, s0  }
0xbe: {  	s0 =	sadd.s32 $0x8F2B, s0  }
0xbf: {  	[sflag:s0] =	ssyncadd.remote.s32 $0x1  }
0xc0: {  	_ =	sfence.sel $0xFFFF  }
0xc1: {  	[dreg:$0x0] =	wrdreg $0xFFFFFFFF;
	(pc) =	sbr.abs _section_cstart, $3  }
0xc2: {  	[dreg:$0x1] =	wrdreg $0xFFFFFFFF  }
0xc3: {  	_ =	task.clear_ibuf [dreg:s8], $0x2FFFF;
	_ =	strace $0x9FFFFFFF  }
0xc4: {  	(tm) =	ssettm $0x7FFFFFFF  }
0xc5: {  	_ =	shalt  }
tec
execute0_lowered:
.L_overlay_start_1:
0x0: {  	(tag) =	ssettag $0x1  }
0x1: {  	s1 =	rddreg [dreg:$0x0];
	s2 =	srdreg.scid  }
0x2: {  	s0 =	stileid.u32;
	s3 =	rddreg [dreg:$0x1]  }
0x3: {  	s4 =	rddreg [dreg:$0x2];
	s15 =	simm.s32 $0x880;
	s16 =	simm.s32 $0x1080  }
0x4: {  	s17 =	simm.s32 $0x1880;
	s5 =	sand.u32 $0x1, s2;
	s2 =	simm.s32 $0x0  }
0x5: {  	s18 =	simm.s32 $0x2080;
	s19 =	simm.s32 $0x2880;
	[smem:$0x7FF] =	sst s2  }
0x6: {  	s21 =	simm.s32 $0x3080;
	_ =	strace $0x80000047;
	[dreg:$0x7] =	wrdreg s15  }
0x7: {  	s22 =	simm.s32 $0x3880;
	s23 =	simm.s32 $0x4080;
	[dreg:$0x8] =	wrdreg s16  }
0x8: {  	s24 =	simm.s32 $0x4880;
	s25 =	simm.s32 $0x5080;
	[dreg:$0x9] =	wrdreg s17  }
0x9: {  	s8 =	simm.s32 $0x8080;
	s26 =	simm.s32 $0x5880;
	[dreg:$0xa] =	wrdreg s18  }
0xa: {  	s9 =	simm.s32 $0x1;
	s11 =	simm.s32 $0x6880;
	[dreg:$0xb] =	wrdreg s19  }
0xb: {  	s12 =	simm.s32 $0x7080;
	s28 =	simm.s32 $0xE880;
	[dreg:$0xc] =	wrdreg s21  }
0xc: {  	s29 =	simm.s32 $0xF080;
	s30 =	simm.s32 $0xF880;
	[dreg:$0xd] =	wrdreg s22  }
0xd: {  	s31 =	simm.s32 $0x3;
	s13 =	sshll.u32 s0, $0x1;
	[dreg:$0xe] =	wrdreg s23  }
0xe: {  	s6 =	sor.u32 s5, s13;
	s5 =	ssub.s32 $0x2, s5;
	[dreg:$0xf] =	wrdreg s24  }
0xf: {  	s13 =	simm.s32 $0x7880;
	s7 =	sshll.u32 s6, $0x4;
	[dreg:$0x10] =	wrdreg s25  }
0x10: {  	s6 =	sshll.u32 s6, $0xC;
	s20 =	sshrl.u32 s5, $0x1;
	[dreg:$0x11] =	wrdreg s26  }
0x11: {  	s15 =	simm.s32 $0x8880;
	s16 =	simm.s32 $0x9080;
	s17 =	simm.s32 $0x9880  }
0x12: {  	s18 =	simm.s32 $0xA080;
	s19 =	simm.s32 $0xA880;
	s21 =	simm.s32 $0xB880  }
0x13: {  	s22 =	simm.s32 $0xC080;
	s23 =	simm.s32 $0xC880;
	s24 =	simm.s32 $0xD080  }
0x14: {  	s25 =	simm.s32 $0xD880;
	s26 =	simm.s32 $0xE080;
	s7 =	sadd.s32 s7, s1  }
0x15: {  	s3 =	sadd.s32 s3, s6;
	s14 =	sadd.s32 s4, s6;
	s4 =	sadd.s32 $0x22A00, s1  }
0x16: {  	s5 =	ssub.s32 s5, s20;
	s6 =	simm.s32 $0x5;
	[dreg:$0x5] =	wrdreg s3  }
0x17: {  	v2 =	vlaneseq.u32;
	s20 =	simm.s32 $0xB080;
	s7 =	sadd.s32 $0x2800, s7;
	[dreg:$0x6] =	wrdreg s14  }
0x18: {  	vm0 =	vmmov $0xffff;
	v1 =	vshrl.u32 v2, $0x3;
	s3 =	sadd.s32 $0x2A00, s1;
	s5 =	smax.u32 s5, $0x1;
	s14 =	simm.s32 $0x2  }
0x19: {  	v0 =	vand.u32 $0x7, v2;
	v2 =	vor.u32 $0x8, v2;
	v1 =	vmul.u32 $0x8, v1;
	s1 =	simm.s32 $0x4;
	[dreg:$0x4] =	wrdreg s7;
	s7 =	simm.s32 $0x80  }
.LBB2_1:
0x1a: {  	s0 =	rddreg [dreg:$0x4]  }
0x1b: {  	[tilespmem:s2], [sflag:$0x5] =	stream.linear.gather [hbm4b:s0+s2], $0x80, $0x38;
	[tilespmem:$0x10080] =	vst v63  }
0x1c: {  	_ =	swait.ge [sflag:s6], $0x80  }
0x1d: {  	[sflag:s6] =	ssyncset.done $0x0  }
0x1e: {  	s0 =	rddreg [dreg:$0x5];
	[sflag:s6] =	ssyncadd.s32 $0xFFFFFF80  }
0x1f: {  	[tilespmem:s7], [sflag:$0x1] =	stream.linear.gather [hbm4b:s0+s2], $0x8000, $0x38;
	[tilespmem:$0x10080] =	vst v63  }
0x20: {  	s10 =	rddreg [dreg:$0x6]  }
0x21: {  	[tilespmem:s8], [sflag:$0x2] =	stream.linear.gather [hbm4b:s10+s2], $0x8000, $0x38;
	[tilespmem:$0x10080] =	vst v63  }
0x22: {  	_ =	swait.ge [sflag:s9], $0x8000  }
0x23: {  	[sflag:s9] =	ssyncset.done $0x0  }
0x24: {  	[sflag:s9] =	ssyncadd.s32 $0xFFFF8000  }
0x25: {  	v3 =	vld [tilespmem:$0x0];
	_ =	sdelay $0x4  }
0x26: {  	v4 =	vshll.u32 v3, $0x1  }
0x27: {  	v3 =	vand.u32 $0x7, v3;
	v4 =	vand.u32 $0xFFFFFFF0, v4  }
0x28: {  	v3 =	vor.u32 v3, v4  }
0x29: {  	v4 =	vperm.xlane v3, v0;
	_ =	sdelay $0x1  }
0x2a: {  	v3 =	vperm.xlane v3, v2;
	v4 =	vadd.s32 v1, v4;
	_ =	sdelay $0x1  }
0x2b: {  	v3 =	vadd.s32 v1, v3;
	_ =	sdelay $0x2  }
0x2c: {  	[hbm4b:s3+s2] =	stream.indirect_vreg.scatter [tilespmem:s7], [sflag:$0x3], $0x80, v4, vm0, $0xb8;
	[tilespmem:$0x10080] =	vst v63  }
0x2d: {  	s10 =	rddreg [dreg:$0x7]  }
0x2e: {  	[hbm4b:s3+s2] =	stream.indirect_vreg.scatter [tilespmem:s10], [sflag:$0x3], $0x80, v3, vm0, $0xb8;
	[tilespmem:$0x10080] =	vst v63  }
0x2f: {  	v3 =	vld [tilespmem:$0x10];
	_ =	sdelay $0x4  }
0x30: {  	v49 =	vshll.u32 v3, $0x1  }
0x31: {  	v3 =	vand.u32 $0x7, v3;
	v4 =	vand.u32 $0xFFFFFFF0, v49  }
0x32: {  	v3 =	vor.u32 v3, v4  }
0x33: {  	v4 =	vperm.xlane v3, v0;
	_ =	sdelay $0x1  }
0x34: {  	v3 =	vperm.xlane v3, v2;
	v4 =	vadd.s32 v1, v4;
	_ =	sdelay $0x1  }
0x35: {  	v3 =	vadd.s32 v1, v3;
	_ =	sdelay $0x1  }
0x36: {  	s0 =	rddreg [dreg:$0x8]  }
0x37: {  	[hbm4b:s3+s2] =	stream.indirect_vreg.scatter [tilespmem:s0], [sflag:$0x3], $0x80, v4, vm0, $0xb8;
	[tilespmem:$0x10080] =	vst v63  }
0x38: {  	s10 =	rddreg [dreg:$0x9]  }
0x39: {  	[hbm4b:s3+s2] =	stream.indirect_vreg.scatter [tilespmem:s10], [sflag:$0x3], $0x80, v3, vm0, $0xb8;
	[tilespmem:$0x10080] =	vst v63  }
0x3a: {  	v3 =	vld [tilespmem:$0x20];
	_ =	sdelay $0x4  }
0x3b: {  	v50 =	vshll.u32 v3, $0x1  }
0x3c: {  	v3 =	vand.u32 $0x7, v3;
	v4 =	vand.u32 $0xFFFFFFF0, v50  }
0x3d: {  	v3 =	vor.u32 v3, v4  }
0x3e: {  	v4 =	vperm.xlane v3, v0;
	_ =	sdelay $0x1  }
0x3f: {  	v3 =	vperm.xlane v3, v2;
	v4 =	vadd.s32 v1, v4;
	_ =	sdelay $0x1  }
0x40: {  	v3 =	vadd.s32 v1, v3;
	_ =	sdelay $0x1  }
0x41: {  	s0 =	rddreg [dreg:$0xa]  }
0x42: {  	[hbm4b:s3+s2] =	stream.indirect_vreg.scatter [tilespmem:s0], [sflag:$0x3], $0x80, v4, vm0, $0xb8;
	[tilespmem:$0x10080] =	vst v63  }
0x43: {  	s10 =	rddreg [dreg:$0xb]  }
0x44: {  	[hbm4b:s3+s2] =	stream.indirect_vreg.scatter [tilespmem:s10], [sflag:$0x3], $0x80, v3, vm0, $0xb8;
	[tilespmem:$0x10080] =	vst v63  }
0x45: {  	v3 =	vld [tilespmem:$0x30];
	_ =	sdelay $0x4  }
0x46: {  	v51 =	vshll.u32 v3, $0x1  }
0x47: {  	v3 =	vand.u32 $0x7, v3;
	v4 =	vand.u32 $0xFFFFFFF0, v51  }
0x48: {  	v3 =	vor.u32 v3, v4  }
0x49: {  	v4 =	vperm.xlane v3, v0;
	_ =	sdelay $0x1  }
0x4a: {  	v3 =	vperm.xlane v3, v2;
	v4 =	vadd.s32 v1, v4;
	_ =	sdelay $0x1  }
0x4b: {  	v3 =	vadd.s32 v1, v3;
	_ =	sdelay $0x1  }
0x4c: {  	s0 =	rddreg [dreg:$0xc]  }
0x4d: {  	[hbm4b:s3+s2] =	stream.indirect_vreg.scatter [tilespmem:s0], [sflag:$0x3], $0x80, v4, vm0, $0xb8;
	[tilespmem:$0x10080] =	vst v63  }
0x4e: {  	s10 =	rddreg [dreg:$0xd]  }
0x4f: {  	[hbm4b:s3+s2] =	stream.indirect_vreg.scatter [tilespmem:s10], [sflag:$0x3], $0x80, v3, vm0, $0xb8;
	[tilespmem:$0x10080] =	vst v63  }
0x50: {  	v3 =	vld [tilespmem:$0x40];
	_ =	sdelay $0x4  }
0x51: {  	v52 =	vshll.u32 v3, $0x1  }
0x52: {  	v3 =	vand.u32 $0x7, v3;
	v4 =	vand.u32 $0xFFFFFFF0, v52  }
0x53: {  	v3 =	vor.u32 v3, v4  }
0x54: {  	v4 =	vperm.xlane v3, v0;
	_ =	sdelay $0x1  }
0x55: {  	v3 =	vperm.xlane v3, v2;
	v4 =	vadd.s32 v1, v4;
	_ =	sdelay $0x1  }
0x56: {  	v3 =	vadd.s32 v1, v3;
	_ =	sdelay $0x1  }
0x57: {  	s0 =	rddreg [dreg:$0xe]  }
0x58: {  	[hbm4b:s3+s2] =	stream.indirect_vreg.scatter [tilespmem:s0], [sflag:$0x3], $0x80, v4, vm0, $0xb8;
	[tilespmem:$0x10080] =	vst v63  }
0x59: {  	s10 =	rddreg [dreg:$0xf]  }
0x5a: {  	[hbm4b:s3+s2] =	stream.indirect_vreg.scatter [tilespmem:s10], [sflag:$0x3], $0x80, v3, vm0, $0xb8;
	[tilespmem:$0x10080] =	vst v63  }
0x5b: {  	v3 =	vld [tilespmem:$0x50];
	_ =	sdelay $0x4  }
0x5c: {  	v53 =	vshll.u32 v3, $0x1  }
0x5d: {  	v3 =	vand.u32 $0x7, v3;
	v4 =	vand.u32 $0xFFFFFFF0, v53  }
0x5e: {  	v3 =	vor.u32 v3, v4  }
0x5f: {  	v4 =	vperm.xlane v3, v0;
	_ =	sdelay $0x1  }
0x60: {  	v3 =	vperm.xlane v3, v2;
	v4 =	vadd.s32 v1, v4;
	_ =	sdelay $0x1  }
0x61: {  	v3 =	vadd.s32 v1, v3;
	_ =	sdelay $0x1  }
0x62: {  	s0 =	rddreg [dreg:$0x10]  }
0x63: {  	[hbm4b:s3+s2] =	stream.indirect_vreg.scatter [tilespmem:s0], [sflag:$0x3], $0x80, v4, vm0, $0xb8;
	[tilespmem:$0x10080] =	vst v63  }
0x64: {  	s10 =	rddreg [dreg:$0x11]  }
0x65: {  	[hbm4b:s3+s2] =	stream.indirect_vreg.scatter [tilespmem:s10], [sflag:$0x3], $0x80, v3, vm0, $0xb8;
	[tilespmem:$0x10080] =	vst v63  }
0x66: {  	v3 =	vld [tilespmem:$0x60];
	_ =	sdelay $0x4  }
0x67: {  	v54 =	vshll.u32 v3, $0x1  }
0x68: {  	v3 =	vand.u32 $0x7, v3;
	v4 =	vand.u32 $0xFFFFFFF0, v54  }
0x69: {  	v3 =	vor.u32 v3, v4  }
0x6a: {  	v4 =	vperm.xlane v3, v0;
	_ =	sdelay $0x1  }
0x6b: {  	v3 =	vperm.xlane v3, v2;
	v4 =	vadd.s32 v1, v4;
	_ =	sdelay $0x1  }
0x6c: {  	v3 =	vadd.s32 v1, v3;
	_ =	sdelay $0x1  }
0x6d: {  	s10 =	simm.s32 $0x6080  }
0x6e: {  	[hbm4b:s3+s2] =	stream.indirect_vreg.scatter [tilespmem:s10], [sflag:$0x3], $0x80, v4, vm0, $0xb8;
	[tilespmem:$0x10080] =	vst v63  }
0x6f: {  	_ = 	snop  }
0x70: {  	[hbm4b:s3+s2] =	stream.indirect_vreg.scatter [tilespmem:s11], [sflag:$0x3], $0x80, v3, vm0, $0xb8;
	[tilespmem:$0x10080] =	vst v63  }
0x71: {  	v3 =	vld [tilespmem:$0x70];
	_ =	sdelay $0x4  }
0x72: {  	v55 =	vshll.u32 v3, $0x1  }
0x73: {  	v3 =	vand.u32 $0x7, v3;
	v4 =	vand.u32 $0xFFFFFFF0, v55  }
0x74: {  	v3 =	vor.u32 v3, v4  }
0x75: {  	v4 =	vperm.xlane v3, v0;
	_ =	sdelay $0x1  }
0x76: {  	v3 =	vperm.xlane v3, v2;
	v4 =	vadd.s32 v1, v4;
	_ =	sdelay $0x1  }
0x77: {  	v3 =	vadd.s32 v1, v3;
	_ =	sdelay $0x2  }
0x78: {  	[hbm4b:s3+s2] =	stream.indirect_vreg.scatter [tilespmem:s12], [sflag:$0x3], $0x80, v4, vm0, $0xb8;
	[tilespmem:$0x10080] =	vst v63  }
0x79: {  	_ = 	snop  }
0x7a: {  	[hbm4b:s3+s2] =	stream.indirect_vreg.scatter [tilespmem:s13], [sflag:$0x3], $0x80, v3, vm0, $0xb8;
	[tilespmem:$0x10080] =	vst v63  }
0x7b: {  	_ =	swait.ge [sflag:s14], $0x8000  }
0x7c: {  	[sflag:s14] =	ssyncset.done $0x0  }
0x7d: {  	[sflag:s14] =	ssyncadd.s32 $0xFFFF8000  }
0x7e: {  	v3 =	vld [tilespmem:$0x0];
	_ =	sdelay $0x4  }
0x7f: {  	v56 =	vshll.u32 v3, $0x1  }
0x80: {  	v3 =	vand.u32 $0x7, v3;
	v4 =	vand.u32 $0xFFFFFFF0, v56  }
0x81: {  	v3 =	vor.u32 v3, v4  }
0x82: {  	v4 =	vperm.xlane v3, v0;
	_ =	sdelay $0x1  }
0x83: {  	v3 =	vperm.xlane v3, v2;
	v4 =	vadd.s32 v1, v4;
	_ =	sdelay $0x1  }
0x84: {  	v3 =	vadd.s32 v1, v3;
	_ =	sdelay $0x2  }
0x85: {  	[hbm4b:s4+s2] =	stream.indirect_vreg.scatter [tilespmem:s8], [sflag:$0x4], $0x80, v4, vm0, $0xb8;
	[tilespmem:$0x10080] =	vst v63  }
0x86: {  	_ = 	snop  }
0x87: {  	[hbm4b:s4+s2] =	stream.indirect_vreg.scatter [tilespmem:s15], [sflag:$0x4], $0x80, v3, vm0, $0xb8;
	[tilespmem:$0x10080] =	vst v63  }
0x88: {  	v3 =	vld [tilespmem:$0x10];
	_ =	sdelay $0x4  }
0x89: {  	v57 =	vshll.u32 v3, $0x1  }
0x8a: {  	v3 =	vand.u32 $0x7, v3;
	v4 =	vand.u32 $0xFFFFFFF0, v57  }
0x8b: {  	v3 =	vor.u32 v3, v4  }
0x8c: {  	v4 =	vperm.xlane v3, v0;
	_ =	sdelay $0x1  }
0x8d: {  	v3 =	vperm.xlane v3, v2;
	v4 =	vadd.s32 v1, v4;
	_ =	sdelay $0x1  }
0x8e: {  	v3 =	vadd.s32 v1, v3;
	_ =	sdelay $0x2  }
0x8f: {  	[hbm4b:s4+s2] =	stream.indirect_vreg.scatter [tilespmem:s16], [sflag:$0x4], $0x80, v4, vm0, $0xb8;
	[tilespmem:$0x10080] =	vst v63  }
0x90: {  	_ = 	snop  }
0x91: {  	[hbm4b:s4+s2] =	stream.indirect_vreg.scatter [tilespmem:s17], [sflag:$0x4], $0x80, v3, vm0, $0xb8;
	[tilespmem:$0x10080] =	vst v63  }
0x92: {  	v3 =	vld [tilespmem:$0x20];
	_ =	sdelay $0x4  }
0x93: {  	v58 =	vshll.u32 v3, $0x1  }
0x94: {  	v3 =	vand.u32 $0x7, v3;
	v4 =	vand.u32 $0xFFFFFFF0, v58  }
0x95: {  	v3 =	vor.u32 v3, v4  }
0x96: {  	v4 =	vperm.xlane v3, v0;
	_ =	sdelay $0x1  }
0x97: {  	v3 =	vperm.xlane v3, v2;
	v4 =	vadd.s32 v1, v4;
	_ =	sdelay $0x1  }
0x98: {  	v3 =	vadd.s32 v1, v3;
	_ =	sdelay $0x2  }
0x99: {  	[hbm4b:s4+s2] =	stream.indirect_vreg.scatter [tilespmem:s18], [sflag:$0x4], $0x80, v4, vm0, $0xb8;
	[tilespmem:$0x10080] =	vst v63  }
0x9a: {  	_ = 	snop  }
0x9b: {  	[hbm4b:s4+s2] =	stream.indirect_vreg.scatter [tilespmem:s19], [sflag:$0x4], $0x80, v3, vm0, $0xb8;
	[tilespmem:$0x10080] =	vst v63  }
0x9c: {  	v3 =	vld [tilespmem:$0x30];
	_ =	sdelay $0x4  }
0x9d: {  	v59 =	vshll.u32 v3, $0x1  }
0x9e: {  	v3 =	vand.u32 $0x7, v3;
	v4 =	vand.u32 $0xFFFFFFF0, v59  }
0x9f: {  	v3 =	vor.u32 v3, v4  }
0xa0: {  	v4 =	vperm.xlane v3, v0;
	_ =	sdelay $0x1  }
0xa1: {  	v3 =	vperm.xlane v3, v2;
	v4 =	vadd.s32 v1, v4;
	_ =	sdelay $0x1  }
0xa2: {  	v3 =	vadd.s32 v1, v3;
	_ =	sdelay $0x2  }
0xa3: {  	[hbm4b:s4+s2] =	stream.indirect_vreg.scatter [tilespmem:s20], [sflag:$0x4], $0x80, v4, vm0, $0xb8;
	[tilespmem:$0x10080] =	vst v63  }
0xa4: {  	_ = 	snop  }
0xa5: {  	[hbm4b:s4+s2] =	stream.indirect_vreg.scatter [tilespmem:s21], [sflag:$0x4], $0x80, v3, vm0, $0xb8;
	[tilespmem:$0x10080] =	vst v63  }
0xa6: {  	v3 =	vld [tilespmem:$0x40];
	_ =	sdelay $0x4  }
0xa7: {  	v60 =	vshll.u32 v3, $0x1  }
0xa8: {  	v3 =	vand.u32 $0x7, v3;
	v4 =	vand.u32 $0xFFFFFFF0, v60  }
0xa9: {  	v3 =	vor.u32 v3, v4  }
0xaa: {  	v4 =	vperm.xlane v3, v0;
	_ =	sdelay $0x1  }
0xab: {  	v3 =	vperm.xlane v3, v2;
	v4 =	vadd.s32 v1, v4;
	_ =	sdelay $0x1  }
0xac: {  	v3 =	vadd.s32 v1, v3;
	_ =	sdelay $0x2  }
0xad: {  	[hbm4b:s4+s2] =	stream.indirect_vreg.scatter [tilespmem:s22], [sflag:$0x4], $0x80, v4, vm0, $0xb8;
	[tilespmem:$0x10080] =	vst v63  }
0xae: {  	_ = 	snop  }
0xaf: {  	[hbm4b:s4+s2] =	stream.indirect_vreg.scatter [tilespmem:s23], [sflag:$0x4], $0x80, v3, vm0, $0xb8;
	[tilespmem:$0x10080] =	vst v63  }
0xb0: {  	v3 =	vld [tilespmem:$0x50];
	_ =	sdelay $0x4  }
0xb1: {  	v61 =	vshll.u32 v3, $0x1  }
0xb2: {  	v3 =	vand.u32 $0x7, v3;
	v4 =	vand.u32 $0xFFFFFFF0, v61  }
0xb3: {  	v3 =	vor.u32 v3, v4  }
0xb4: {  	v4 =	vperm.xlane v3, v0;
	_ =	sdelay $0x1  }
0xb5: {  	v3 =	vperm.xlane v3, v2;
	v4 =	vadd.s32 v1, v4;
	_ =	sdelay $0x1  }
0xb6: {  	v3 =	vadd.s32 v1, v3;
	_ =	sdelay $0x2  }
0xb7: {  	[hbm4b:s4+s2] =	stream.indirect_vreg.scatter [tilespmem:s24], [sflag:$0x4], $0x80, v4, vm0, $0xb8;
	[tilespmem:$0x10080] =	vst v63  }
0xb8: {  	_ = 	snop  }
0xb9: {  	[hbm4b:s4+s2] =	stream.indirect_vreg.scatter [tilespmem:s25], [sflag:$0x4], $0x80, v3, vm0, $0xb8;
	[tilespmem:$0x10080] =	vst v63  }
0xba: {  	v3 =	vld [tilespmem:$0x60];
	_ =	sdelay $0x4  }
0xbb: {  	v62 =	vshll.u32 v3, $0x1  }
0xbc: {  	v3 =	vand.u32 $0x7, v3;
	v4 =	vand.u32 $0xFFFFFFF0, v62  }
0xbd: {  	v3 =	vor.u32 v3, v4  }
0xbe: {  	v4 =	vperm.xlane v3, v0;
	_ =	sdelay $0x1  }
0xbf: {  	v3 =	vperm.xlane v3, v2;
	v4 =	vadd.s32 v1, v4;
	_ =	sdelay $0x1  }
0xc0: {  	v3 =	vadd.s32 v1, v3;
	_ =	sdelay $0x2  }
0xc1: {  	[hbm4b:s4+s2] =	stream.indirect_vreg.scatter [tilespmem:s26], [sflag:$0x4], $0x80, v4, vm0, $0xb8;
	[tilespmem:$0x10080] =	vst v63  }
0xc2: {  	_ = 	snop  }
0xc3: {  	[hbm4b:s4+s2] =	stream.indirect_vreg.scatter [tilespmem:s28], [sflag:$0x4], $0x80, v3, vm0, $0xb8;
	[tilespmem:$0x10080] =	vst v63  }
0xc4: {  	v3 =	vld [tilespmem:$0x70];
	_ =	sdelay $0x4  }
0xc5: {  	v63 =	vshll.u32 v3, $0x1  }
0xc6: {  	v3 =	vand.u32 $0x7, v3;
	v4 =	vand.u32 $0xFFFFFFF0, v63  }
0xc7: {  	v3 =	vor.u32 v3, v4  }
0xc8: {  	v4 =	vperm.xlane v3, v0;
	_ =	sdelay $0x1  }
0xc9: {  	v3 =	vperm.xlane v3, v2;
	v4 =	vadd.s32 v1, v4;
	_ =	sdelay $0x1  }
0xca: {  	v3 =	vadd.s32 v1, v3;
	_ =	sdelay $0x2  }
0xcb: {  	[hbm4b:s4+s2] =	stream.indirect_vreg.scatter [tilespmem:s29], [sflag:$0x4], $0x80, v4, vm0, $0xb8;
	[tilespmem:$0x10080] =	vst v63  }
0xcc: {  	_ = 	snop  }
0xcd: {  	[hbm4b:s4+s2] =	stream.indirect_vreg.scatter [tilespmem:s30], [sflag:$0x4], $0x80, v3, vm0, $0xb8;
	[tilespmem:$0x10080] =	vst v63  }
0xce: {  	p0 =	sne.s32 s5, $0x1;
	_ =	swait.ge [sflag:s31], $0x8000  }
.Ltmp0:
0xcf: {  	[sflag:s31] =	ssyncset.done $0x0;
	(pc) =	sbr.rel @p0 .LBB2_1-.Ltmp0, $4  }
0xd0: {  	[sflag:s31] =	ssyncadd.s32 $0xFFFF8000  }
0xd1: {  	_ =	swait.ge [sflag:s1], $0x8000  }
0xd2: {  	[sflag:s1] =	ssyncset.done $0x0  }
0xd3: {  	s5 =	sadd.s32 $0xFFFFFFFF, s5;
	[sflag:s1] =	ssyncadd.s32 $0xFFFF8000  }
0xd4: {  	_ =	sfence.sel $0x180000  }
0xd5: {  	[bflag:$0x0] =	sbarrier.arrive $0xFFFF  }
0xd6: {  	_ =	strace $0x90000047  }
0xd7: {  	s0 =	stileid.u32;
	[bflag:$0x2] =	sbarrier.arrive $0xFFFF  }
0xd8: {  	p0 =	sne.s32 s0, $0x0;
	s0 =	rddreg [dreg:$0x3]  }
0xd9: {  	s0 =	sadd.s32 @!p0 $0x100000, s0  }
0xda: {  	[sflag:s0] =	ssyncadd.tile.s32 @!p0 $0x1;
	_ =	shalt  }
.Lfunc_end2:
_tile_overlayer_lowered:
.L_overlay_start_2:
0xdb: {  	(tag) =	ssettag $0x2  }
0xdc: {  	s0 =	rddreg [dreg:$0x0];
	s2 =	stileid.u32  }
0xdd: {  	s1 =	rddreg [dreg:$0x1];
	p0 =	sne.s32 s2, $0x0  }
0xde: {  	s3 =	rddreg [dreg:$0x2];
	[bflag:$0x3] =	sbarrier.arrive $0xFFFF;
	s2 =	simm.s32 @!p0 $0x1C05  }
0xdf: {  	[timem:s3], [sflag:s2] =	dma.local @!p0 [hbm:s0], s1  }
0xe0: {  	s0 =	simm.s32 @!p0 $0x5  }
0xe1: {  	_ =	swait.ge @!p0 [sflag:s0], s1  }
0xe2: {  	s1 =	ssub.s32 @!p0 $0x0, s1;
	[sflag:s0] =	ssyncset.done @!p0 $0x0  }
0xe3: {  	[sflag:s0] =	ssyncadd.s32 @!p0 s1  }
0xe4: {  	[bflag:$0x3] =	sbarrier.arrive $0xFFFF  }
0xe5: {  	_ =	shalt  }

</sc_bundles>
